<compile_context>
chip_gen: v7x
topology: tpu7x:2x2x1
jax: 0.10.2.dev20260603
libtpu: 0.0.44.dev20260713+nightly
codegen_flags: <defaults>
</compile_context>

<pallas_src>
import jax
import jax.numpy as jnp
from jax import lax
from jax.experimental import pallas as pl
from jax.experimental.pallas import tpu as pltpu
from jax.experimental.pallas import tpu_sc as plsc

VOCAB = 1000000
VOCAB_PAD = 1048576
DIM = 64
P = 4096
L = 50
LU = 200
NW = 32
GPW = P // NW
OPW = GPW * L
LANES = 16
INV = 1.0 / (float(L) * float(P))
SWEEP_BLK = 65536
NODE_WAY = 20



NODE_STEPS = LU // NODE_WAY
SWEEP_STEPS = VOCAB_PAD // SWEEP_BLK


def _nodesweep_body(idx_ref, *refs):
    tbl_refs = refs[:NODE_WAY]
    sweep_ref, s_ref, node_scr = refs[NODE_WAY], refs[NODE_WAY + 1], refs[NODE_WAY + 2]
    i = pl.program_id(0)

    @pl.when(i == 0)
    def _():
        node_scr[...] = jnp.zeros_like(node_scr)

    @pl.when(i < NODE_STEPS)
    def _():
        acc = jnp.zeros((DIM, 1), jnp.float32)
        lanes = jax.lax.broadcasted_iota(jnp.int32, (DIM, 128), 1)
        for k in range(NODE_WAY):
            lane = idx_ref[i * NODE_WAY + k] % 128
            col = jnp.sum(jnp.where(lanes == lane, tbl_refs[k][...], 0.0),
                          axis=1, keepdims=True)
            acc = acc + col
        node_scr[...] += acc

    @pl.when(i == NODE_STEPS - 1)
    def _():
        node_scr[...] = node_scr[...] / float(LU)

    @pl.when(i >= NODE_STEPS)
    def _():
        s_ref[...] = jnp.sum(sweep_ref[...] * node_scr[...], axis=0)


def _nodesweep_call(pos_u, table_t):
    def mk_spec(k):
        def imap(i, idx_ref, k=k):
            ii = jnp.minimum(i, NODE_STEPS - 1)
            return (0, idx_ref[ii * NODE_WAY + k] // 128)
        return pl.BlockSpec((DIM, 128), imap)

    sweep_spec = pl.BlockSpec(
        (DIM, SWEEP_BLK), lambda i, idx_ref: (0, jnp.maximum(i - NODE_STEPS, 0)))

    return pl.pallas_call(
        _nodesweep_body,
        compiler_params=pltpu.CompilerParams(vmem_limit_bytes=56 * 1024 * 1024),
        grid_spec=pltpu.PrefetchScalarGridSpec(
            num_scalar_prefetch=1,
            grid=(NODE_STEPS + SWEEP_STEPS,),
            in_specs=[mk_spec(k) for k in range(NODE_WAY)] + [sweep_spec],
            out_specs=pl.BlockSpec(
                (SWEEP_BLK,), lambda i, idx_ref: (jnp.maximum(i - NODE_STEPS, 0),)),
            scratch_shapes=[pltpu.VMEM((DIM, 1), jnp.float32)],
        ),
        out_shape=jax.ShapeDtypeStruct((VOCAB_PAD,), jnp.float32),
    )(pos_u, *([table_t] * (NODE_WAY + 1)))



FILL = 65536


def _gather_body(s_hbm, negv_hbm, posv_hbm, exps_hbm, posp_hbm,
                 idxn_ref, idxp_ref, sbufn_ref, sbufp_ref, out_ref, s_shr,
                 semn, semp, semi):
    core = lax.axis_index("core")
    sub = lax.axis_index("subcore")
    wid = sub * 2 + core
    col0 = wid * GPW

    cpn = pltpu.async_copy(negv_hbm.at[:, pl.ds(col0, GPW)], idxn_ref, semi)
    cpp = pltpu.async_copy(posv_hbm.at[:, pl.ds(col0, GPW)], idxp_ref, semi)

    fb = sub * FILL
    pltpu.sync_copy(s_hbm.at[pl.ds(fb, FILL)], s_shr.at[pl.ds(fb, FILL)])

    cpn.wait()
    cpp.wait()
    plsc.subcore_barrier()

    @pl.loop(0, L)
    def _fire_n(r):
        pltpu.async_copy(s_shr.at[idxn_ref.at[r]], sbufn_ref.at[r], semn)

    @pl.loop(0, L)
    def _fire_p(r):
        pltpu.async_copy(s_shr.at[idxp_ref.at[r]], sbufp_ref.at[r], semp)

    @pl.loop(0, L)
    def _drain_n(r):
        pltpu.make_async_copy(
            s_shr.at[idxn_ref.at[r]], sbufn_ref.at[r], semn).wait()

    expacc = jnp.zeros((LANES,), jnp.float32)
    for lc in range(GPW // LANES):

        def jbody(r, acc):
            return acc + sbufn_ref[r, pl.ds(lc * LANES, LANES)]

        gsum = lax.fori_loop(0, L, jbody, jnp.zeros((LANES,), jnp.float32))
        nr = gsum * INV
        expacc = expacc + jnp.where(nr > 0.0, jnp.exp(nr), 0.0)

    out_ref[0, :] = expacc
    pltpu.sync_copy(out_ref, exps_hbm.at[pl.ds(wid, 1)])

    @pl.loop(0, L)
    def _drain_p(r):
        pltpu.make_async_copy(
            s_shr.at[idxp_ref.at[r]], sbufp_ref.at[r], semp).wait()

    def rbody(r, carry):
        acc = carry
        for lc in range(GPW // LANES):
            acc = acc + sbufp_ref[r, pl.ds(lc * LANES, LANES)]
        return acc

    posacc = lax.fori_loop(0, L, rbody, jnp.zeros((LANES,), jnp.float32))
    out_ref[0, :] = posacc
    pltpu.sync_copy(out_ref, posp_hbm.at[pl.ds(wid, 1)])


def _gather_call(s, negv_t, posv_t):
    mesh = plsc.VectorSubcoreMesh(core_axis_name="core", subcore_axis_name="subcore")
    f = pl.kernel(
        _gather_body,
        compiler_params=pltpu.CompilerParams(
            use_tc_tiling_on_sc=True, needs_layout_passes=False),
        out_type=[
            jax.ShapeDtypeStruct((NW, LANES), jnp.float32),
            jax.ShapeDtypeStruct((NW, LANES), jnp.float32),
        ],
        mesh=mesh,
        scratch_types=[
            pltpu.VMEM((L, GPW), jnp.int32),
            pltpu.VMEM((L, GPW), jnp.int32),
            pltpu.VMEM((L, GPW), jnp.float32),
            pltpu.VMEM((L, GPW), jnp.float32),
            pltpu.VMEM((1, LANES), jnp.float32),
            pltpu.VMEM_SHARED((VOCAB_PAD,), jnp.float32),
            pltpu.SemaphoreType.DMA,
            pltpu.SemaphoreType.DMA,
            pltpu.SemaphoreType.DMA,
        ],
    )
    return f(s, negv_t, posv_t)


def kernel(pos_u, pos_v, neg_v, table):
    table_t = table.T
    posu = pos_u.astype(jnp.int32)
    negv_t = neg_v.astype(jnp.int32).T
    posv_t = pos_v.astype(jnp.int32).T

    s = _nodesweep_call(posu, table_t)
    exps, posp = _gather_call(s, negv_t, posv_t)

    neg_s = jnp.sum(exps)
    pos_loss = jnp.sum(posp) * INV
    return jnp.log(1.0 + neg_s) - pos_loss

# --- scband reference (transcript-rebuilt; emitter-appended) ---
"""Pipeline reference for scband-skip-gram-3874060501389 (READ-ONLY COPY).

The authoritative reference and input builder live on the scoring server;
editing this copy changes nothing except your own understanding.
"""

import jax, jax.numpy as jnp
import numpy as np

VOCAB = 1000000
DIM = 64


def setup_inputs(seed: int = 0):
    key = jax.random.key(seed)
    k1, k2, k3, k4 = jax.random.split(key, 4)
    pos_u = jax.random.randint(k1, (200,), 0, VOCAB)
    pos_v = jax.random.randint(k2, (4096, 50), 0, VOCAB)
    neg_v = jax.random.randint(k3, (4096, 50), 0, VOCAB)
    initrange = 0.5 / DIM
    table = jax.random.uniform(k4, (VOCAB, DIM), dtype=jnp.float32, minval=-initrange, maxval=initrange)
    return {"pos_u": pos_u, "pos_v": pos_v, "neg_v": neg_v, "table": table}


def reference(pos_u, pos_v, neg_v, table):
    # get_average_embedings
    embed_u = jnp.take(table, pos_u, axis=0)              # [Lu, D]
    node_emb = jnp.sum(embed_u, axis=0) / float(pos_u.shape[0])  # [D]
    embed_v = jnp.take(table, pos_v, axis=0)              # [P, L, D]
    pos_v_average = jnp.sum(embed_v, axis=1) / float(pos_v.shape[1])  # [P, D]
    neg_embed_v = jnp.take(table, neg_v, axis=0)          # [N, L, D]
    neg_v_average = jnp.sum(neg_embed_v, axis=1) / float(neg_v.shape[1])  # [N, D]
    # dot_product_sum (exp=False) for positives
    pos_res = jnp.sum(node_emb[None, :] * pos_v_average, axis=-1) / float(pos_v_average.shape[0])
    pos_loss = jnp.sum(pos_res, axis=-1)
    # dot_product_sum (exp=True) for negatives
    neg_res = jnp.sum(node_emb[None, :] * neg_v_average, axis=-1) / float(neg_v_average.shape[0])
    neg_res = jnp.exp(neg_res) * (neg_res > 0.0).astype(jnp.float32)
    neg_loss = jnp.sum(neg_res, axis=-1)
    neg_loss = -jnp.log(1.0 + neg_loss)
    losss = -(neg_loss + pos_loss)
    return losss

if __name__ == "__main__":
    import jax
    _d = setup_inputs()
    print(jax.jit(kernel)(*tuple(_d.values())))

</pallas_src>

<mosaic_0001>
#map = affine_map<(d0, d1) -> (0)>
#map1 = affine_map<(d0, d1) -> (0, 0)>
module attributes {stable_mosaic.version = 14 : i64} {
  func.func @_gather_body(%arg0: i32, %arg1: i32, %arg2: memref<1048576xf32, #tpu.memory_space<hbm>>, %arg3: memref<50x4096xi32, #tpu.memory_space<hbm>>, %arg4: memref<50x4096xi32, #tpu.memory_space<hbm>>, %arg5: memref<32x16xf32, #tpu.memory_space<hbm>>, %arg6: memref<32x16xf32, #tpu.memory_space<hbm>>, %arg7: memref<50x128xi32, #tpu.memory_space<vmem>>, %arg8: memref<50x128xi32, #tpu.memory_space<vmem>>, %arg9: memref<50x128xf32, #tpu.memory_space<vmem>>, %arg10: memref<50x128xf32, #tpu.memory_space<vmem>>, %arg11: memref<1x16xf32, #tpu.memory_space<vmem>>, %arg12: memref<1048576xf32, #tpu.memory_space<vmem_shared>>, %arg13: memref<!tpu.dma_semaphore, #tpu.memory_space<semaphore_mem>>, %arg14: memref<!tpu.dma_semaphore, #tpu.memory_space<semaphore_mem>>, %arg15: memref<!tpu.dma_semaphore, #tpu.memory_space<semaphore_mem>>) attributes {dimension_semantics = [#tpu.dimension_semantics<core_parallel>, #tpu.dimension_semantics<subcore_parallel>], iteration_bounds = array<i64: 2, 16>, scalar_prefetch = 0 : i64, scratch_operands = 9 : i64, tpu.core_type = #tpu.core_type<sc_vector_subcore>, window_params = [{transform_indices = #map}, {transform_indices = #map1}, {transform_indices = #map1}, {transform_indices = #map1}, {transform_indices = #map1}]} {
    %mul3A = arith.constant 2 : i32
    %mul3A_0 = arith.muli %arg1, %mul3A : i32
    %add3A = arith.addi %mul3A_0, %arg0 : i32
    %mul3A_1 = arith.constant 128 : i32
    %mul3A_2 = arith.muli %add3A, %mul3A_1 : i32
    %dma_start3A = arith.constant 0 : i32
    %dma_start3A_3 = tpu.memref_slice %arg3[%dma_start3A, %mul3A_2] : memref<50x4096xi32, #tpu.memory_space<hbm>> -> memref<50x128xi32, #tpu.memory_space<hbm>>
    %dma_start3A_4 = arith.constant 0 : i32
    %dma_start3A_5 = tpu.memref_slice %arg3[%dma_start3A_4, %mul3A_2] : memref<50x4096xi32, #tpu.memory_space<hbm>> -> memref<50x128xi32, #tpu.memory_space<hbm>>
    tpu.enqueue_dma source(%dma_start3A_5 : memref<50x128xi32, #tpu.memory_space<hbm>>) target(%arg7 : memref<50x128xi32, #tpu.memory_space<vmem>>) target_semaphore(%arg15 : memref<!tpu.dma_semaphore, #tpu.memory_space<semaphore_mem>>)
    %dma_start3A_6 = arith.constant 0 : i32
    %dma_start3A_7 = tpu.memref_slice %arg4[%dma_start3A_6, %mul3A_2] : memref<50x4096xi32, #tpu.memory_space<hbm>> -> memref<50x128xi32, #tpu.memory_space<hbm>>
    %dma_start3A_8 = arith.constant 0 : i32
    %dma_start3A_9 = tpu.memref_slice %arg4[%dma_start3A_8, %mul3A_2] : memref<50x4096xi32, #tpu.memory_space<hbm>> -> memref<50x128xi32, #tpu.memory_space<hbm>>
    tpu.enqueue_dma source(%dma_start3A_9 : memref<50x128xi32, #tpu.memory_space<hbm>>) target(%arg8 : memref<50x128xi32, #tpu.memory_space<vmem>>) target_semaphore(%arg15 : memref<!tpu.dma_semaphore, #tpu.memory_space<semaphore_mem>>)
    %mul3A_10 = arith.constant 65536 : i32
    %mul3A_11 = arith.muli %arg1, %mul3A_10 : i32
    "tpu.region"() ({
      %run_scoped3A = tpu.sem_alloc : memref<!tpu.dma_semaphore, #tpu.memory_space<semaphore_mem>>
      %dma_start3A_202 = tpu.memref_slice %arg12[%mul3A_11] : memref<1048576xf32, #tpu.memory_space<vmem_shared>> -> memref<65536xf32, #tpu.memory_space<vmem_shared>>
      %dma_start3A_203 = tpu.memref_slice %arg2[%mul3A_11] : memref<1048576xf32, #tpu.memory_space<hbm>> -> memref<65536xf32, #tpu.memory_space<hbm>>
      tpu.enqueue_dma source(%dma_start3A_203 : memref<65536xf32, #tpu.memory_space<hbm>>) target(%dma_start3A_202 : memref<65536xf32, #tpu.memory_space<vmem_shared>>) target_semaphore(%run_scoped3A : memref<!tpu.dma_semaphore, #tpu.memory_space<semaphore_mem>>)
      %dma_wait3A_204 = tpu.memref_slice %arg12[%mul3A_11] : memref<1048576xf32, #tpu.memory_space<vmem_shared>> -> memref<65536xf32, #tpu.memory_space<vmem_shared>>
      %dma_wait3A_205 = tpu.memref_slice %arg2[%mul3A_11] : memref<1048576xf32, #tpu.memory_space<hbm>> -> memref<65536xf32, #tpu.memory_space<hbm>>
      tpu.wait_dma2 semaphore(%run_scoped3A : memref<!tpu.dma_semaphore, #tpu.memory_space<semaphore_mem>>) src(%dma_wait3A_205 : memref<65536xf32, #tpu.memory_space<hbm>>) dst(%dma_wait3A_204 : memref<65536xf32, #tpu.memory_space<vmem_shared>>)
      tpu.yield
    }) : () -> ()
    %dma_wait3A = arith.constant 0 : i32
    %dma_wait3A_12 = tpu.memref_slice %arg3[%dma_wait3A, %mul3A_2] : memref<50x4096xi32, #tpu.memory_space<hbm>> -> memref<50x128xi32, #tpu.memory_space<hbm>>
    %dma_wait3A_13 = arith.constant 0 : i32
    %dma_wait3A_14 = tpu.memref_slice %arg3[%dma_wait3A_13, %mul3A_2] : memref<50x4096xi32, #tpu.memory_space<hbm>> -> memref<50x128xi32, #tpu.memory_space<hbm>>
    tpu.wait_dma2 semaphore(%arg15 : memref<!tpu.dma_semaphore, #tpu.memory_space<semaphore_mem>>) src(%dma_wait3A_14 : memref<50x128xi32, #tpu.memory_space<hbm>>) dst(%arg7 : memref<50x128xi32, #tpu.memory_space<vmem>>)
    %dma_wait3A_15 = arith.constant 0 : i32
    %dma_wait3A_16 = tpu.memref_slice %arg4[%dma_wait3A_15, %mul3A_2] : memref<50x4096xi32, #tpu.memory_space<hbm>> -> memref<50x128xi32, #tpu.memory_space<hbm>>
    %dma_wait3A_17 = arith.constant 0 : i32
    %dma_wait3A_18 = tpu.memref_slice %arg4[%dma_wait3A_17, %mul3A_2] : memref<50x4096xi32, #tpu.memory_space<hbm>> -> memref<50x128xi32, #tpu.memory_space<hbm>>
    tpu.wait_dma2 semaphore(%arg15 : memref<!tpu.dma_semaphore, #tpu.memory_space<semaphore_mem>>) src(%dma_wait3A_18 : memref<50x128xi32, #tpu.memory_space<hbm>>) dst(%arg8 : memref<50x128xi32, #tpu.memory_space<vmem>>)
    %barrier3A = arith.constant 0 : index
    tpu.barrier barrier_id(%barrier3A)
    %scan3A = arith.constant 0 : i32
    %scan3A_19 = arith.constant 50 : i32
    %scan3A_20 = arith.addi %scan3A, %scan3A_19 : i32
    %scan3A_21 = arith.constant 1 : i32
    scf.for %scan3A_202 = %scan3A to %scan3A_20 step %scan3A_21  : i32 {
      %mul3A_203 = arith.constant 1 : i32
      %mul3A_204 = arith.muli %scan3A_202, %mul3A_203 : i32
      %add3A_205 = arith.constant 0 : i32
      %add3A_206 = arith.addi %add3A_205, %mul3A_204 : i32
      %dma_start3A_207 = arith.constant 0 : i32
      %dma_start3A_208 = tpu.memref_slice %arg9[%add3A_206, %dma_start3A_207] : memref<50x128xf32, #tpu.memory_space<vmem>> -> memref<1x128xf32, #tpu.memory_space<vmem>>
      %dma_start3A_209 = tpu.memref_squeeze %dma_start3A_208 : memref<1x128xf32, #tpu.memory_space<vmem>> -> memref<128xf32, #tpu.memory_space<vmem>>
      %dma_start3A_210 = arith.constant 0 : i32
      %dma_start3A_211 = tpu.memref_slice %arg7[%add3A_206, %dma_start3A_210] : memref<50x128xi32, #tpu.memory_space<vmem>> -> memref<1x128xi32, #tpu.memory_space<vmem>>
      %dma_start3A_212 = tpu.memref_squeeze %dma_start3A_211 : memref<1x128xi32, #tpu.memory_space<vmem>> -> memref<128xi32, #tpu.memory_space<vmem>>
      %dma_start3A_213 = arith.constant 0 : i32
      %dma_start3A_214 = tpu.memref_slice %arg12[%dma_start3A_213] : memref<1048576xf32, #tpu.memory_space<vmem_shared>> -> memref<1048576xf32, #tpu.memory_space<vmem_shared>>
      tpu.enqueue_indirect_dma source(%dma_start3A_214 : memref<1048576xf32, #tpu.memory_space<vmem_shared>>) target(%dma_start3A_209 : memref<128xf32, #tpu.memory_space<vmem>>) offsets(%dma_start3A_212 : memref<128xi32, #tpu.memory_space<vmem>>) semaphore(%arg13 : memref<!tpu.dma_semaphore, #tpu.memory_space<semaphore_mem>>)
    }
    %scan3A_22 = arith.constant 50 : i32
    %scan3A_23 = arith.constant 0 : i32
    %scan3A_24 = arith.constant 50 : i32
    %scan3A_25 = arith.addi %scan3A_23, %scan3A_24 : i32
    %scan3A_26 = arith.constant 1 : i32
    scf.for %scan3A_202 = %scan3A_23 to %scan3A_25 step %scan3A_26  : i32 {
      %mul3A_203 = arith.constant 1 : i32
      %mul3A_204 = arith.muli %scan3A_202, %mul3A_203 : i32
      %add3A_205 = arith.constant 0 : i32
      %add3A_206 = arith.addi %add3A_205, %mul3A_204 : i32
      %dma_start3A_207 = arith.constant 0 : i32
      %dma_start3A_208 = tpu.memref_slice %arg10[%add3A_206, %dma_start3A_207] : memref<50x128xf32, #tpu.memory_space<vmem>> -> memref<1x128xf32, #tpu.memory_space<vmem>>
      %dma_start3A_209 = tpu.memref_squeeze %dma_start3A_208 : memref<1x128xf32, #tpu.memory_space<vmem>> -> memref<128xf32, #tpu.memory_space<vmem>>
      %dma_start3A_210 = arith.constant 0 : i32
      %dma_start3A_211 = tpu.memref_slice %arg8[%add3A_206, %dma_start3A_210] : memref<50x128xi32, #tpu.memory_space<vmem>> -> memref<1x128xi32, #tpu.memory_space<vmem>>
      %dma_start3A_212 = tpu.memref_squeeze %dma_start3A_211 : memref<1x128xi32, #tpu.memory_space<vmem>> -> memref<128xi32, #tpu.memory_space<vmem>>
      %dma_start3A_213 = arith.constant 0 : i32
      %dma_start3A_214 = tpu.memref_slice %arg12[%dma_start3A_213] : memref<1048576xf32, #tpu.memory_space<vmem_shared>> -> memref<1048576xf32, #tpu.memory_space<vmem_shared>>
      tpu.enqueue_indirect_dma source(%dma_start3A_214 : memref<1048576xf32, #tpu.memory_space<vmem_shared>>) target(%dma_start3A_209 : memref<128xf32, #tpu.memory_space<vmem>>) offsets(%dma_start3A_212 : memref<128xi32, #tpu.memory_space<vmem>>) semaphore(%arg14 : memref<!tpu.dma_semaphore, #tpu.memory_space<semaphore_mem>>)
    }
    %scan3A_27 = arith.constant 50 : i32
    %scan3A_28 = arith.constant 0 : i32
    %scan3A_29 = arith.constant 50 : i32
    %scan3A_30 = arith.addi %scan3A_28, %scan3A_29 : i32
    %scan3A_31 = arith.constant 1 : i32
    scf.for %scan3A_202 = %scan3A_28 to %scan3A_30 step %scan3A_31  : i32 {
      %mul3A_203 = arith.constant 1 : i32
      %mul3A_204 = arith.muli %scan3A_202, %mul3A_203 : i32
      %add3A_205 = arith.constant 0 : i32
      %add3A_206 = arith.addi %add3A_205, %mul3A_204 : i32
      %dma_wait3A_207 = arith.constant 0 : i32
      %dma_wait3A_208 = tpu.memref_slice %arg9[%add3A_206, %dma_wait3A_207] : memref<50x128xf32, #tpu.memory_space<vmem>> -> memref<1x128xf32, #tpu.memory_space<vmem>>
      %dma_wait3A_209 = tpu.memref_squeeze %dma_wait3A_208 : memref<1x128xf32, #tpu.memory_space<vmem>> -> memref<128xf32, #tpu.memory_space<vmem>>
      %dma_wait3A_210 = arith.constant 0 : i32
      %dma_wait3A_211 = tpu.memref_slice %arg7[%add3A_206, %dma_wait3A_210] : memref<50x128xi32, #tpu.memory_space<vmem>> -> memref<1x128xi32, #tpu.memory_space<vmem>>
      %dma_wait3A_212 = tpu.memref_squeeze %dma_wait3A_211 : memref<1x128xi32, #tpu.memory_space<vmem>> -> memref<128xi32, #tpu.memory_space<vmem>>
      %dma_wait3A_213 = arith.constant 0 : i32
      %dma_wait3A_214 = tpu.memref_slice %arg12[%dma_wait3A_213] : memref<1048576xf32, #tpu.memory_space<vmem_shared>> -> memref<1048576xf32, #tpu.memory_space<vmem_shared>>
      tpu.wait_indirect_dma semaphore(%arg13 : memref<!tpu.dma_semaphore, #tpu.memory_space<semaphore_mem>>) src(%dma_wait3A_214 : memref<1048576xf32, #tpu.memory_space<vmem_shared>>) dst(%dma_wait3A_209 : memref<128xf32, #tpu.memory_space<vmem>>)
    }
    %scan3A_32 = arith.constant 50 : i32
    %broadcast_in_dim3A = arith.constant 0.000000e+00 : f32
    %broadcast_in_dim3A_33 = vector.broadcast %broadcast_in_dim3A : f32 to vector<16xf32>
    %broadcast_in_dim3A_34 = arith.constant 0.000000e+00 : f32
    %broadcast_in_dim3A_35 = vector.broadcast %broadcast_in_dim3A_34 : f32 to vector<16xf32>
    %scan3A_36 = arith.constant 0 : i32
    %scan3A_37 = arith.constant 50 : i32
    %scan3A_38 = arith.addi %scan3A_36, %scan3A_37 : i32
    %scan3A_39 = arith.constant 1 : i32
    %scan3A_40 = scf.for %scan3A_202 = %scan3A_36 to %scan3A_38 step %scan3A_39 iter_args(%scan3A_203 = %broadcast_in_dim3A_35) -> (vector<16xf32>)  : i32 {
      %get3A = arith.index_cast %scan3A_202 : i32 to index
      %get3A_204 = arith.constant 0 : index
      %get3A_205 = tpu.vector_load %arg9[%get3A, %get3A_204] {strides = array<i32>} : memref<50x128xf32, #tpu.memory_space<vmem>>, vector<16xf32>,
      %add3A_206 = arith.addf %scan3A_203, %get3A_205 : vector<16xf32>
      scf.yield %add3A_206 : vector<16xf32>
    }
    %scan3A_41 = arith.constant 50 : i32
    %mul3A_42 = arith.constant 4.88281239E-6 : f32
    %mul3A_43 = vector.broadcast %mul3A_42 : f32 to vector<16xf32>
    %mul3A_44 = arith.mulf %scan3A_40, %mul3A_43 : vector<16xf32>
    %gt3A = arith.constant 0.000000e+00 : f32
    %gt3A_45 = vector.broadcast %gt3A : f32 to vector<16xf32>
    %gt3A_46 = arith.cmpf ogt, %mul3A_44, %gt3A_45 : vector<16xf32>
    %exp3A = math.exp %mul3A_44 : vector<16xf32>
    %jit3A = arith.constant 0.000000e+00 : f32
    %broadcast_in_dim3A_47 = vector.broadcast %jit3A : f32 to vector<16xf32>
    %select_n3A = arith.select %gt3A_46, %exp3A, %broadcast_in_dim3A_47 : vector<16xi1>, vector<16xf32>
    %add3A_48 = arith.addf %broadcast_in_dim3A_33, %select_n3A : vector<16xf32>
    %broadcast_in_dim3A_49 = arith.constant 0.000000e+00 : f32
    %broadcast_in_dim3A_50 = vector.broadcast %broadcast_in_dim3A_49 : f32 to vector<16xf32>
    %scan3A_51 = arith.constant 0 : i32
    %scan3A_52 = arith.constant 50 : i32
    %scan3A_53 = arith.addi %scan3A_51, %scan3A_52 : i32
    %scan3A_54 = arith.constant 1 : i32
    %scan3A_55 = scf.for %scan3A_202 = %scan3A_51 to %scan3A_53 step %scan3A_54 iter_args(%scan3A_203 = %broadcast_in_dim3A_50) -> (vector<16xf32>)  : i32 {
      %get3A = arith.index_cast %scan3A_202 : i32 to index
      %get3A_204 = arith.constant 16 : index
      %get3A_205 = tpu.vector_load %arg9[%get3A, %get3A_204] {strides = array<i32>} : memref<50x128xf32, #tpu.memory_space<vmem>>, vector<16xf32>,
      %add3A_206 = arith.addf %scan3A_203, %get3A_205 : vector<16xf32>
      scf.yield %add3A_206 : vector<16xf32>
    }
    %scan3A_56 = arith.constant 50 : i32
    %mul3A_57 = arith.constant 4.88281239E-6 : f32
    %mul3A_58 = vector.broadcast %mul3A_57 : f32 to vector<16xf32>
    %mul3A_59 = arith.mulf %scan3A_55, %mul3A_58 : vector<16xf32>
    %gt3A_60 = arith.constant 0.000000e+00 : f32
    %gt3A_61 = vector.broadcast %gt3A_60 : f32 to vector<16xf32>
    %gt3A_62 = arith.cmpf ogt, %mul3A_59, %gt3A_61 : vector<16xf32>
    %exp3A_63 = math.exp %mul3A_59 : vector<16xf32>
    %jit3A_64 = arith.constant 0.000000e+00 : f32
    %broadcast_in_dim3A_65 = vector.broadcast %jit3A_64 : f32 to vector<16xf32>
    %select_n3A_66 = arith.select %gt3A_62, %exp3A_63, %broadcast_in_dim3A_65 : vector<16xi1>, vector<16xf32>
    %add3A_67 = arith.addf %add3A_48, %select_n3A_66 : vector<16xf32>
    %broadcast_in_dim3A_68 = arith.constant 0.000000e+00 : f32
    %broadcast_in_dim3A_69 = vector.broadcast %broadcast_in_dim3A_68 : f32 to vector<16xf32>
    %scan3A_70 = arith.constant 0 : i32
    %scan3A_71 = arith.constant 50 : i32
    %scan3A_72 = arith.addi %scan3A_70, %scan3A_71 : i32
    %scan3A_73 = arith.constant 1 : i32
    %scan3A_74 = scf.for %scan3A_202 = %scan3A_70 to %scan3A_72 step %scan3A_73 iter_args(%scan3A_203 = %broadcast_in_dim3A_69) -> (vector<16xf32>)  : i32 {
      %get3A = arith.index_cast %scan3A_202 : i32 to index
      %get3A_204 = arith.constant 32 : index
      %get3A_205 = tpu.vector_load %arg9[%get3A, %get3A_204] {strides = array<i32>} : memref<50x128xf32, #tpu.memory_space<vmem>>, vector<16xf32>,
      %add3A_206 = arith.addf %scan3A_203, %get3A_205 : vector<16xf32>
      scf.yield %add3A_206 : vector<16xf32>
    }
    %scan3A_75 = arith.constant 50 : i32
    %mul3A_76 = arith.constant 4.88281239E-6 : f32
    %mul3A_77 = vector.broadcast %mul3A_76 : f32 to vector<16xf32>
    %mul3A_78 = arith.mulf %scan3A_74, %mul3A_77 : vector<16xf32>
    %gt3A_79 = arith.constant 0.000000e+00 : f32
    %gt3A_80 = vector.broadcast %gt3A_79 : f32 to vector<16xf32>
    %gt3A_81 = arith.cmpf ogt, %mul3A_78, %gt3A_80 : vector<16xf32>
    %exp3A_82 = math.exp %mul3A_78 : vector<16xf32>
    %jit3A_83 = arith.constant 0.000000e+00 : f32
    %broadcast_in_dim3A_84 = vector.broadcast %jit3A_83 : f32 to vector<16xf32>
    %select_n3A_85 = arith.select %gt3A_81, %exp3A_82, %broadcast_in_dim3A_84 : vector<16xi1>, vector<16xf32>
    %add3A_86 = arith.addf %add3A_67, %select_n3A_85 : vector<16xf32>
    %broadcast_in_dim3A_87 = arith.constant 0.000000e+00 : f32
    %broadcast_in_dim3A_88 = vector.broadcast %broadcast_in_dim3A_87 : f32 to vector<16xf32>
    %scan3A_89 = arith.constant 0 : i32
    %scan3A_90 = arith.constant 50 : i32
    %scan3A_91 = arith.addi %scan3A_89, %scan3A_90 : i32
    %scan3A_92 = arith.constant 1 : i32
    %scan3A_93 = scf.for %scan3A_202 = %scan3A_89 to %scan3A_91 step %scan3A_92 iter_args(%scan3A_203 = %broadcast_in_dim3A_88) -> (vector<16xf32>)  : i32 {
      %get3A = arith.index_cast %scan3A_202 : i32 to index
      %get3A_204 = arith.constant 48 : index
      %get3A_205 = tpu.vector_load %arg9[%get3A, %get3A_204] {strides = array<i32>} : memref<50x128xf32, #tpu.memory_space<vmem>>, vector<16xf32>,
      %add3A_206 = arith.addf %scan3A_203, %get3A_205 : vector<16xf32>
      scf.yield %add3A_206 : vector<16xf32>
    }
    %scan3A_94 = arith.constant 50 : i32
    %mul3A_95 = arith.constant 4.88281239E-6 : f32
    %mul3A_96 = vector.broadcast %mul3A_95 : f32 to vector<16xf32>
    %mul3A_97 = arith.mulf %scan3A_93, %mul3A_96 : vector<16xf32>
    %gt3A_98 = arith.constant 0.000000e+00 : f32
    %gt3A_99 = vector.broadcast %gt3A_98 : f32 to vector<16xf32>
    %gt3A_100 = arith.cmpf ogt, %mul3A_97, %gt3A_99 : vector<16xf32>
    %exp3A_101 = math.exp %mul3A_97 : vector<16xf32>
    %jit3A_102 = arith.constant 0.000000e+00 : f32
    %broadcast_in_dim3A_103 = vector.broadcast %jit3A_102 : f32 to vector<16xf32>
    %select_n3A_104 = arith.select %gt3A_100, %exp3A_101, %broadcast_in_dim3A_103 : vector<16xi1>, vector<16xf32>
    %add3A_105 = arith.addf %add3A_86, %select_n3A_104 : vector<16xf32>
    %broadcast_in_dim3A_106 = arith.constant 0.000000e+00 : f32
    %broadcast_in_dim3A_107 = vector.broadcast %broadcast_in_dim3A_106 : f32 to vector<16xf32>
    %scan3A_108 = arith.constant 0 : i32
    %scan3A_109 = arith.constant 50 : i32
    %scan3A_110 = arith.addi %scan3A_108, %scan3A_109 : i32
    %scan3A_111 = arith.constant 1 : i32
    %scan3A_112 = scf.for %scan3A_202 = %scan3A_108 to %scan3A_110 step %scan3A_111 iter_args(%scan3A_203 = %broadcast_in_dim3A_107) -> (vector<16xf32>)  : i32 {
      %get3A = arith.index_cast %scan3A_202 : i32 to index
      %get3A_204 = arith.constant 64 : index
      %get3A_205 = tpu.vector_load %arg9[%get3A, %get3A_204] {strides = array<i32>} : memref<50x128xf32, #tpu.memory_space<vmem>>, vector<16xf32>,
      %add3A_206 = arith.addf %scan3A_203, %get3A_205 : vector<16xf32>
      scf.yield %add3A_206 : vector<16xf32>
    }
    %scan3A_113 = arith.constant 50 : i32
    %mul3A_114 = arith.constant 4.88281239E-6 : f32
    %mul3A_115 = vector.broadcast %mul3A_114 : f32 to vector<16xf32>
    %mul3A_116 = arith.mulf %scan3A_112, %mul3A_115 : vector<16xf32>
    %gt3A_117 = arith.constant 0.000000e+00 : f32
    %gt3A_118 = vector.broadcast %gt3A_117 : f32 to vector<16xf32>
    %gt3A_119 = arith.cmpf ogt, %mul3A_116, %gt3A_118 : vector<16xf32>
    %exp3A_120 = math.exp %mul3A_116 : vector<16xf32>
    %jit3A_121 = arith.constant 0.000000e+00 : f32
    %broadcast_in_dim3A_122 = vector.broadcast %jit3A_121 : f32 to vector<16xf32>
    %select_n3A_123 = arith.select %gt3A_119, %exp3A_120, %broadcast_in_dim3A_122 : vector<16xi1>, vector<16xf32>
    %add3A_124 = arith.addf %add3A_105, %select_n3A_123 : vector<16xf32>
    %broadcast_in_dim3A_125 = arith.constant 0.000000e+00 : f32
    %broadcast_in_dim3A_126 = vector.broadcast %broadcast_in_dim3A_125 : f32 to vector<16xf32>
    %scan3A_127 = arith.constant 0 : i32
    %scan3A_128 = arith.constant 50 : i32
    %scan3A_129 = arith.addi %scan3A_127, %scan3A_128 : i32
    %scan3A_130 = arith.constant 1 : i32
    %scan3A_131 = scf.for %scan3A_202 = %scan3A_127 to %scan3A_129 step %scan3A_130 iter_args(%scan3A_203 = %broadcast_in_dim3A_126) -> (vector<16xf32>)  : i32 {
      %get3A = arith.index_cast %scan3A_202 : i32 to index
      %get3A_204 = arith.constant 80 : index
      %get3A_205 = tpu.vector_load %arg9[%get3A, %get3A_204] {strides = array<i32>} : memref<50x128xf32, #tpu.memory_space<vmem>>, vector<16xf32>,
      %add3A_206 = arith.addf %scan3A_203, %get3A_205 : vector<16xf32>
      scf.yield %add3A_206 : vector<16xf32>
    }
    %scan3A_132 = arith.constant 50 : i32
    %mul3A_133 = arith.constant 4.88281239E-6 : f32
    %mul3A_134 = vector.broadcast %mul3A_133 : f32 to vector<16xf32>
    %mul3A_135 = arith.mulf %scan3A_131, %mul3A_134 : vector<16xf32>
    %gt3A_136 = arith.constant 0.000000e+00 : f32
    %gt3A_137 = vector.broadcast %gt3A_136 : f32 to vector<16xf32>
    %gt3A_138 = arith.cmpf ogt, %mul3A_135, %gt3A_137 : vector<16xf32>
    %exp3A_139 = math.exp %mul3A_135 : vector<16xf32>
    %jit3A_140 = arith.constant 0.000000e+00 : f32
    %broadcast_in_dim3A_141 = vector.broadcast %jit3A_140 : f32 to vector<16xf32>
    %select_n3A_142 = arith.select %gt3A_138, %exp3A_139, %broadcast_in_dim3A_141 : vector<16xi1>, vector<16xf32>
    %add3A_143 = arith.addf %add3A_124, %select_n3A_142 : vector<16xf32>
    %broadcast_in_dim3A_144 = arith.constant 0.000000e+00 : f32
    %broadcast_in_dim3A_145 = vector.broadcast %broadcast_in_dim3A_144 : f32 to vector<16xf32>
    %scan3A_146 = arith.constant 0 : i32
    %scan3A_147 = arith.constant 50 : i32
    %scan3A_148 = arith.addi %scan3A_146, %scan3A_147 : i32
    %scan3A_149 = arith.constant 1 : i32
    %scan3A_150 = scf.for %scan3A_202 = %scan3A_146 to %scan3A_148 step %scan3A_149 iter_args(%scan3A_203 = %broadcast_in_dim3A_145) -> (vector<16xf32>)  : i32 {
      %get3A = arith.index_cast %scan3A_202 : i32 to index
      %get3A_204 = arith.constant 96 : index
      %get3A_205 = tpu.vector_load %arg9[%get3A, %get3A_204] {strides = array<i32>} : memref<50x128xf32, #tpu.memory_space<vmem>>, vector<16xf32>,
      %add3A_206 = arith.addf %scan3A_203, %get3A_205 : vector<16xf32>
      scf.yield %add3A_206 : vector<16xf32>
    }
    %scan3A_151 = arith.constant 50 : i32
    %mul3A_152 = arith.constant 4.88281239E-6 : f32
    %mul3A_153 = vector.broadcast %mul3A_152 : f32 to vector<16xf32>
    %mul3A_154 = arith.mulf %scan3A_150, %mul3A_153 : vector<16xf32>
    %gt3A_155 = arith.constant 0.000000e+00 : f32
    %gt3A_156 = vector.broadcast %gt3A_155 : f32 to vector<16xf32>
    %gt3A_157 = arith.cmpf ogt, %mul3A_154, %gt3A_156 : vector<16xf32>
    %exp3A_158 = math.exp %mul3A_154 : vector<16xf32>
    %jit3A_159 = arith.constant 0.000000e+00 : f32
    %broadcast_in_dim3A_160 = vector.broadcast %jit3A_159 : f32 to vector<16xf32>
    %select_n3A_161 = arith.select %gt3A_157, %exp3A_158, %broadcast_in_dim3A_160 : vector<16xi1>, vector<16xf32>
    %add3A_162 = arith.addf %add3A_143, %select_n3A_161 : vector<16xf32>
    %broadcast_in_dim3A_163 = arith.constant 0.000000e+00 : f32
    %broadcast_in_dim3A_164 = vector.broadcast %broadcast_in_dim3A_163 : f32 to vector<16xf32>
    %scan3A_165 = arith.constant 0 : i32
    %scan3A_166 = arith.constant 50 : i32
    %scan3A_167 = arith.addi %scan3A_165, %scan3A_166 : i32
    %scan3A_168 = arith.constant 1 : i32
    %scan3A_169 = scf.for %scan3A_202 = %scan3A_165 to %scan3A_167 step %scan3A_168 iter_args(%scan3A_203 = %broadcast_in_dim3A_164) -> (vector<16xf32>)  : i32 {
      %get3A = arith.index_cast %scan3A_202 : i32 to index
      %get3A_204 = arith.constant 112 : index
      %get3A_205 = tpu.vector_load %arg9[%get3A, %get3A_204] {strides = array<i32>} : memref<50x128xf32, #tpu.memory_space<vmem>>, vector<16xf32>,
      %add3A_206 = arith.addf %scan3A_203, %get3A_205 : vector<16xf32>
      scf.yield %add3A_206 : vector<16xf32>
    }
    %scan3A_170 = arith.constant 50 : i32
    %mul3A_171 = arith.constant 4.88281239E-6 : f32
    %mul3A_172 = vector.broadcast %mul3A_171 : f32 to vector<16xf32>
    %mul3A_173 = arith.mulf %scan3A_169, %mul3A_172 : vector<16xf32>
    %gt3A_174 = arith.constant 0.000000e+00 : f32
    %gt3A_175 = vector.broadcast %gt3A_174 : f32 to vector<16xf32>
    %gt3A_176 = arith.cmpf ogt, %mul3A_173, %gt3A_175 : vector<16xf32>
    %exp3A_177 = math.exp %mul3A_173 : vector<16xf32>
    %jit3A_178 = arith.constant 0.000000e+00 : f32
    %broadcast_in_dim3A_179 = vector.broadcast %jit3A_178 : f32 to vector<16xf32>
    %select_n3A_180 = arith.select %gt3A_176, %exp3A_177, %broadcast_in_dim3A_179 : vector<16xi1>, vector<16xf32>
    %add3A_181 = arith.addf %add3A_162, %select_n3A_180 : vector<16xf32>
    %swap3A = arith.constant 0 : i32
    %swap3A_182 = arith.index_cast %swap3A : i32 to index
    %swap3A_183 = arith.constant 0 : index
    %swap3A_184 = tpu.vector_load %arg11[%swap3A_182, %swap3A_183] {strides = array<i32>} : memref<1x16xf32, #tpu.memory_space<vmem>>, vector<16xf32>,
    tpu.vector_store %arg11[%swap3A_182, %swap3A_183], %add3A_181 {strides = array<i32>} : memref<1x16xf32, #tpu.memory_space<vmem>>, vector<16xf32>,
    "tpu.region"() ({
      %run_scoped3A = tpu.sem_alloc : memref<!tpu.dma_semaphore, #tpu.memory_space<semaphore_mem>>
      %dma_start3A_202 = arith.constant 0 : i32
      %dma_start3A_203 = tpu.memref_slice %arg5[%add3A, %dma_start3A_202] : memref<32x16xf32, #tpu.memory_space<hbm>> -> memref<1x16xf32, #tpu.memory_space<hbm>>
      %dma_start3A_204 = arith.constant 0 : i32
      %dma_start3A_205 = tpu.memref_slice %arg5[%add3A, %dma_start3A_204] : memref<32x16xf32, #tpu.memory_space<hbm>> -> memref<1x16xf32, #tpu.memory_space<hbm>>
      tpu.enqueue_dma source(%arg11 : memref<1x16xf32, #tpu.memory_space<vmem>>) target(%dma_start3A_205 : memref<1x16xf32, #tpu.memory_space<hbm>>) target_semaphore(%run_scoped3A : memref<!tpu.dma_semaphore, #tpu.memory_space<semaphore_mem>>)
      %dma_wait3A_206 = arith.constant 0 : i32
      %dma_wait3A_207 = tpu.memref_slice %arg5[%add3A, %dma_wait3A_206] : memref<32x16xf32, #tpu.memory_space<hbm>> -> memref<1x16xf32, #tpu.memory_space<hbm>>
      %dma_wait3A_208 = arith.constant 0 : i32
      %dma_wait3A_209 = tpu.memref_slice %arg5[%add3A, %dma_wait3A_208] : memref<32x16xf32, #tpu.memory_space<hbm>> -> memref<1x16xf32, #tpu.memory_space<hbm>>
      tpu.wait_dma2 semaphore(%run_scoped3A : memref<!tpu.dma_semaphore, #tpu.memory_space<semaphore_mem>>) src(%arg11 : memref<1x16xf32, #tpu.memory_space<vmem>>) dst(%dma_wait3A_209 : memref<1x16xf32, #tpu.memory_space<hbm>>)
      tpu.yield
    }) : () -> ()
    %scan3A_185 = arith.constant 0 : i32
    %scan3A_186 = arith.constant 50 : i32
    %scan3A_187 = arith.addi %scan3A_185, %scan3A_186 : i32
    %scan3A_188 = arith.constant 1 : i32
    scf.for %scan3A_202 = %scan3A_185 to %scan3A_187 step %scan3A_188  : i32 {
      %mul3A_203 = arith.constant 1 : i32
      %mul3A_204 = arith.muli %scan3A_202, %mul3A_203 : i32
      %add3A_205 = arith.constant 0 : i32
      %add3A_206 = arith.addi %add3A_205, %mul3A_204 : i32
      %dma_wait3A_207 = arith.constant 0 : i32
      %dma_wait3A_208 = tpu.memref_slice %arg10[%add3A_206, %dma_wait3A_207] : memref<50x128xf32, #tpu.memory_space<vmem>> -> memref<1x128xf32, #tpu.memory_space<vmem>>
      %dma_wait3A_209 = tpu.memref_squeeze %dma_wait3A_208 : memref<1x128xf32, #tpu.memory_space<vmem>> -> memref<128xf32, #tpu.memory_space<vmem>>
      %dma_wait3A_210 = arith.constant 0 : i32
      %dma_wait3A_211 = tpu.memref_slice %arg8[%add3A_206, %dma_wait3A_210] : memref<50x128xi32, #tpu.memory_space<vmem>> -> memref<1x128xi32, #tpu.memory_space<vmem>>
      %dma_wait3A_212 = tpu.memref_squeeze %dma_wait3A_211 : memref<1x128xi32, #tpu.memory_space<vmem>> -> memref<128xi32, #tpu.memory_space<vmem>>
      %dma_wait3A_213 = arith.constant 0 : i32
      %dma_wait3A_214 = tpu.memref_slice %arg12[%dma_wait3A_213] : memref<1048576xf32, #tpu.memory_space<vmem_shared>> -> memref<1048576xf32, #tpu.memory_space<vmem_shared>>
      tpu.wait_indirect_dma semaphore(%arg14 : memref<!tpu.dma_semaphore, #tpu.memory_space<semaphore_mem>>) src(%dma_wait3A_214 : memref<1048576xf32, #tpu.memory_space<vmem_shared>>) dst(%dma_wait3A_209 : memref<128xf32, #tpu.memory_space<vmem>>)
    }
    %scan3A_189 = arith.constant 50 : i32
    %broadcast_in_dim3A_190 = arith.constant 0.000000e+00 : f32
    %broadcast_in_dim3A_191 = vector.broadcast %broadcast_in_dim3A_190 : f32 to vector<16xf32>
    %scan3A_192 = arith.constant 0 : i32
    %scan3A_193 = arith.constant 50 : i32
    %scan3A_194 = arith.addi %scan3A_192, %scan3A_193 : i32
    %scan3A_195 = arith.constant 1 : i32
    %scan3A_196 = scf.for %scan3A_202 = %scan3A_192 to %scan3A_194 step %scan3A_195 iter_args(%scan3A_203 = %broadcast_in_dim3A_191) -> (vector<16xf32>)  : i32 {
      %get3A = arith.index_cast %scan3A_202 : i32 to index
      %get3A_204 = arith.constant 0 : index
      %get3A_205 = tpu.vector_load %arg10[%get3A, %get3A_204] {strides = array<i32>} : memref<50x128xf32, #tpu.memory_space<vmem>>, vector<16xf32>,
      %add3A_206 = arith.addf %scan3A_203, %get3A_205 : vector<16xf32>
      %get3A_207 = arith.index_cast %scan3A_202 : i32 to index
      %get3A_208 = arith.constant 16 : index
      %get3A_209 = tpu.vector_load %arg10[%get3A_207, %get3A_208] {strides = array<i32>} : memref<50x128xf32, #tpu.memory_space<vmem>>, vector<16xf32>,
      %add3A_210 = arith.addf %add3A_206, %get3A_209 : vector<16xf32>
      %get3A_211 = arith.index_cast %scan3A_202 : i32 to index
      %get3A_212 = arith.constant 32 : index
      %get3A_213 = tpu.vector_load %arg10[%get3A_211, %get3A_212] {strides = array<i32>} : memref<50x128xf32, #tpu.memory_space<vmem>>, vector<16xf32>,
      %add3A_214 = arith.addf %add3A_210, %get3A_213 : vector<16xf32>
      %get3A_215 = arith.index_cast %scan3A_202 : i32 to index
      %get3A_216 = arith.constant 48 : index
      %get3A_217 = tpu.vector_load %arg10[%get3A_215, %get3A_216] {strides = array<i32>} : memref<50x128xf32, #tpu.memory_space<vmem>>, vector<16xf32>,
      %add3A_218 = arith.addf %add3A_214, %get3A_217 : vector<16xf32>
      %get3A_219 = arith.index_cast %scan3A_202 : i32 to index
      %get3A_220 = arith.constant 64 : index
      %get3A_221 = tpu.vector_load %arg10[%get3A_219, %get3A_220] {strides = array<i32>} : memref<50x128xf32, #tpu.memory_space<vmem>>, vector<16xf32>,
      %add3A_222 = arith.addf %add3A_218, %get3A_221 : vector<16xf32>
      %get3A_223 = arith.index_cast %scan3A_202 : i32 to index
      %get3A_224 = arith.constant 80 : index
      %get3A_225 = tpu.vector_load %arg10[%get3A_223, %get3A_224] {strides = array<i32>} : memref<50x128xf32, #tpu.memory_space<vmem>>, vector<16xf32>,
      %add3A_226 = arith.addf %add3A_222, %get3A_225 : vector<16xf32>
      %get3A_227 = arith.index_cast %scan3A_202 : i32 to index
      %get3A_228 = arith.constant 96 : index
      %get3A_229 = tpu.vector_load %arg10[%get3A_227, %get3A_228] {strides = array<i32>} : memref<50x128xf32, #tpu.memory_space<vmem>>, vector<16xf32>,
      %add3A_230 = arith.addf %add3A_226, %get3A_229 : vector<16xf32>
      %get3A_231 = arith.index_cast %scan3A_202 : i32 to index
      %get3A_232 = arith.constant 112 : index
      %get3A_233 = tpu.vector_load %arg10[%get3A_231, %get3A_232] {strides = array<i32>} : memref<50x128xf32, #tpu.memory_space<vmem>>, vector<16xf32>,
      %add3A_234 = arith.addf %add3A_230, %get3A_233 : vector<16xf32>
      scf.yield %add3A_234 : vector<16xf32>
    }
    %scan3A_197 = arith.constant 50 : i32
    %swap3A_198 = arith.constant 0 : i32
    %swap3A_199 = arith.index_cast %swap3A_198 : i32 to index
    %swap3A_200 = arith.constant 0 : index
    %swap3A_201 = tpu.vector_load %arg11[%swap3A_199, %swap3A_200] {strides = array<i32>} : memref<1x16xf32, #tpu.memory_space<vmem>>, vector<16xf32>,
    tpu.vector_store %arg11[%swap3A_199, %swap3A_200], %scan3A_196 {strides = array<i32>} : memref<1x16xf32, #tpu.memory_space<vmem>>, vector<16xf32>,
    "tpu.region"() ({
      %run_scoped3A = tpu.sem_alloc : memref<!tpu.dma_semaphore, #tpu.memory_space<semaphore_mem>>
      %dma_start3A_202 = arith.constant 0 : i32
      %dma_start3A_203 = tpu.memref_slice %arg6[%add3A, %dma_start3A_202] : memref<32x16xf32, #tpu.memory_space<hbm>> -> memref<1x16xf32, #tpu.memory_space<hbm>>
      %dma_start3A_204 = arith.constant 0 : i32
      %dma_start3A_205 = tpu.memref_slice %arg6[%add3A, %dma_start3A_204] : memref<32x16xf32, #tpu.memory_space<hbm>> -> memref<1x16xf32, #tpu.memory_space<hbm>>
      tpu.enqueue_dma source(%arg11 : memref<1x16xf32, #tpu.memory_space<vmem>>) target(%dma_start3A_205 : memref<1x16xf32, #tpu.memory_space<hbm>>) target_semaphore(%run_scoped3A : memref<!tpu.dma_semaphore, #tpu.memory_space<semaphore_mem>>)
      %dma_wait3A_206 = arith.constant 0 : i32
      %dma_wait3A_207 = tpu.memref_slice %arg6[%add3A, %dma_wait3A_206] : memref<32x16xf32, #tpu.memory_space<hbm>> -> memref<1x16xf32, #tpu.memory_space<hbm>>
      %dma_wait3A_208 = arith.constant 0 : i32
      %dma_wait3A_209 = tpu.memref_slice %arg6[%add3A, %dma_wait3A_208] : memref<32x16xf32, #tpu.memory_space<hbm>> -> memref<1x16xf32, #tpu.memory_space<hbm>>
      tpu.wait_dma2 semaphore(%run_scoped3A : memref<!tpu.dma_semaphore, #tpu.memory_space<semaphore_mem>>) src(%arg11 : memref<1x16xf32, #tpu.memory_space<vmem>>) dst(%dma_wait3A_209 : memref<1x16xf32, #tpu.memory_space<hbm>>)
      tpu.yield
    }) : () -> ()
    return
  }
}

module attributes {stable_mosaic.version = 14 : i64} {
  func.func @_nodesweep_body(%arg0: i32, %arg1: memref<200xi32, #tpu.memory_space<smem>>, %arg2: memref<64x128xf32, #tpu.memory_space<vmem>>, %arg3: memref<64x128xf32, #tpu.memory_space<vmem>>, %arg4: memref<64x128xf32, #tpu.memory_space<vmem>>, %arg5: memref<64x128xf32, #tpu.memory_space<vmem>>, %arg6: memref<64x128xf32, #tpu.memory_space<vmem>>, %arg7: memref<64x128xf32, #tpu.memory_space<vmem>>, %arg8: memref<64x128xf32, #tpu.memory_space<vmem>>, %arg9: memref<64x128xf32, #tpu.memory_space<vmem>>, %arg10: memref<64x128xf32, #tpu.memory_space<vmem>>, %arg11: memref<64x128xf32, #tpu.memory_space<vmem>>, %arg12: memref<64x128xf32, #tpu.memory_space<vmem>>, %arg13: memref<64x128xf32, #tpu.memory_space<vmem>>, %arg14: memref<64x128xf32, #tpu.memory_space<vmem>>, %arg15: memref<64x128xf32, #tpu.memory_space<vmem>>, %arg16: memref<64x128xf32, #tpu.memory_space<vmem>>, %arg17: memref<64x128xf32, #tpu.memory_space<vmem>>, %arg18: memref<64x128xf32, #tpu.memory_space<vmem>>, %arg19: memref<64x128xf32, #tpu.memory_space<vmem>>, %arg20: memref<64x128xf32, #tpu.memory_space<vmem>>, %arg21: memref<64x128xf32, #tpu.memory_space<vmem>>, %arg22: memref<64x65536xf32, #tpu.memory_space<vmem>>, %arg23: memref<65536xf32, #tpu.memory_space<vmem>>, %arg24: memref<64x1xf32, #tpu.memory_space<vmem>>) attributes {dimension_semantics = [#tpu.dimension_semantics<arbitrary>], iteration_bounds = array<i64: 26>, scalar_prefetch = 1 : i64, scratch_operands = 1 : i64, tpu.core_type = #tpu.core_type<tc>, window_params = [{transform_indices = @transform_0, window_bounds = array<i64: 64, 128>}, {transform_indices = @transform_1, window_bounds = array<i64: 64, 128>}, {transform_indices = @transform_2, window_bounds = array<i64: 64, 128>}, {transform_indices = @transform_3, window_bounds = array<i64: 64, 128>}, {transform_indices = @transform_4, window_bounds = array<i64: 64, 128>}, {transform_indices = @transform_5, window_bounds = array<i64: 64, 128>}, {transform_indices = @transform_6, window_bounds = array<i64: 64, 128>}, {transform_indices = @transform_7, window_bounds = array<i64: 64, 128>}, {transform_indices = @transform_8, window_bounds = array<i64: 64, 128>}, {transform_indices = @transform_9, window_bounds = array<i64: 64, 128>}, {transform_indices = @transform_10, window_bounds = array<i64: 64, 128>}, {transform_indices = @transform_11, window_bounds = array<i64: 64, 128>}, {transform_indices = @transform_12, window_bounds = array<i64: 64, 128>}, {transform_indices = @transform_13, window_bounds = array<i64: 64, 128>}, {transform_indices = @transform_14, window_bounds = array<i64: 64, 128>}, {transform_indices = @transform_15, window_bounds = array<i64: 64, 128>}, {transform_indices = @transform_16, window_bounds = array<i64: 64, 128>}, {transform_indices = @transform_17, window_bounds = array<i64: 64, 128>}, {transform_indices = @transform_18, window_bounds = array<i64: 64, 128>}, {transform_indices = @transform_19, window_bounds = array<i64: 64, 128>}, {transform_indices = @transform_20, window_bounds = array<i64: 64, 65536>}, {transform_indices = @transform_21, window_bounds = array<i64: 65536>}]} {
    %eq3A = arith.constant 0 : i32
    %eq3A_0 = arith.cmpi eq, %arg0, %eq3A : i32
    %convert_element_type3A = arith.extui %eq3A_0 : i1 to i32
    %cond3A = arith.constant 0 : i32
    %cond3A_1 = arith.cmpi ne, %convert_element_type3A, %cond3A : i32
    scf.if %cond3A_1 {
      %broadcast_in_dim3A = arith.constant 0.000000e+00 : f32
      %broadcast_in_dim3A_15 = vector.broadcast %broadcast_in_dim3A : f32 to vector<64x1xf32>
      %swap3A = arith.constant 0 : index
      %swap3A_16 = arith.constant 0 : index
      %swap3A_17 = vector.load %arg24[%swap3A, %swap3A_16] : memref<64x1xf32, #tpu.memory_space<vmem>>, vector<64x1xf32>
      tpu.vector_store %arg24[%swap3A, %swap3A_16], %broadcast_in_dim3A_15 {strides = array<i32>} : memref<64x1xf32, #tpu.memory_space<vmem>>, vector<64x1xf32>,
    } else {
    }
    %lt3A = arith.constant 10 : i32
    %lt3A_2 = arith.cmpi slt, %arg0, %lt3A : i32
    %convert_element_type3A_3 = arith.extui %lt3A_2 : i1 to i32
    %cond3A_4 = arith.constant 0 : i32
    %cond3A_5 = arith.cmpi ne, %convert_element_type3A_3, %cond3A_4 : i32
    scf.if %cond3A_5 {
      %broadcast_in_dim3A = arith.constant 0.000000e+00 : f32
      %broadcast_in_dim3A_15 = vector.broadcast %broadcast_in_dim3A : f32 to vector<64x1xf32>
      %iota3A = tpu.iota {dimensions = array<i32: 1>} : vector<64x128xi32>
      %mul3A = arith.constant 20 : i32
      %mul3A_16 = arith.muli %arg0, %mul3A : i32
      %add3A = arith.constant 0 : i32
      %add3A_17 = arith.addi %mul3A_16, %add3A : i32
      %get3A = arith.index_cast %add3A_17 : i32 to index
      %get3A_18 = memref.load %arg1[%get3A] : memref<200xi32, #tpu.memory_space<smem>>
      %jit3A = arith.constant 128 : i32
      %eq3A_19 = arith.constant 0 : i32
      %eq3A_20 = arith.cmpi eq, %jit3A, %eq3A_19 : i32
      %jit3A_21 = arith.constant 1 : i32
      %select_n3A = arith.select %eq3A_20, %jit3A_21, %jit3A : i32
      %rem3A = arith.remsi %get3A_18, %select_n3A : i32
      %ne3A = arith.constant 0 : i32
      %ne3A_22 = arith.cmpi ne, %rem3A, %ne3A : i32
      %lt3A_23 = arith.constant 0 : i32
      %lt3A_24 = arith.cmpi slt, %rem3A, %lt3A_23 : i32
      %lt3A_25 = arith.constant 0 : i32
      %lt3A_26 = arith.cmpi slt, %select_n3A, %lt3A_25 : i32
      %ne3A_27 = arith.xori %lt3A_24, %lt3A_26 : i1
      %and3A = arith.andi %ne3A_27, %ne3A_22 : i1
      %add3A_28 = arith.addi %rem3A, %select_n3A : i32
      %select_n3A_29 = arith.select %and3A, %add3A_28, %rem3A : i32
      %eq3A_30 = vector.broadcast %select_n3A_29 : i32 to vector<64x128xi32>
      %eq3A_31 = arith.cmpi eq, %iota3A, %eq3A_30 : vector<64x128xi32>
      %get3A_32 = arith.constant 0 : index
      %get3A_33 = arith.constant 0 : index
      %get3A_34 = vector.load %arg2[%get3A_32, %get3A_33] : memref<64x128xf32, #tpu.memory_space<vmem>>, vector<64x128xf32>
      %jit3A_35 = arith.constant 0.000000e+00 : f32
      %broadcast_in_dim3A_36 = vector.broadcast %jit3A_35 : f32 to vector<64x128xf32>
      %select_n3A_37 = arith.select %eq3A_31, %get3A_34, %broadcast_in_dim3A_36 : vector<64x128xi1>, vector<64x128xf32>
      %reduce_sum3A = arith.constant dense<0.000000e+00> : vector<64xf32>
      %reduce_sum3A_38 = vector.multi_reduction <add>, %select_n3A_37, %reduce_sum3A [1] : vector<64x128xf32> to vector<64xf32>
      %broadcast_in_dim3A_39 = vector.shape_cast %reduce_sum3A_38 : vector<64xf32> to vector<64x1xf32>
      %add3A_40 = arith.addf %broadcast_in_dim3A_15, %broadcast_in_dim3A_39 : vector<64x1xf32>
      %mul3A_41 = arith.constant 20 : i32
      %mul3A_42 = arith.muli %arg0, %mul3A_41 : i32
      %add3A_43 = arith.constant 1 : i32
      %add3A_44 = arith.addi %mul3A_42, %add3A_43 : i32
      %get3A_45 = arith.index_cast %add3A_44 : i32 to index
      %get3A_46 = memref.load %arg1[%get3A_45] : memref<200xi32, #tpu.memory_space<smem>>
      %jit3A_47 = arith.constant 128 : i32
      %eq3A_48 = arith.constant 0 : i32
      %eq3A_49 = arith.cmpi eq, %jit3A_47, %eq3A_48 : i32
      %jit3A_50 = arith.constant 1 : i32
      %select_n3A_51 = arith.select %eq3A_49, %jit3A_50, %jit3A_47 : i32
      %rem3A_52 = arith.remsi %get3A_46, %select_n3A_51 : i32
      %ne3A_53 = arith.constant 0 : i32
      %ne3A_54 = arith.cmpi ne, %rem3A_52, %ne3A_53 : i32
      %lt3A_55 = arith.constant 0 : i32
      %lt3A_56 = arith.cmpi slt, %rem3A_52, %lt3A_55 : i32
      %lt3A_57 = arith.constant 0 : i32
      %lt3A_58 = arith.cmpi slt, %select_n3A_51, %lt3A_57 : i32
      %ne3A_59 = arith.xori %lt3A_56, %lt3A_58 : i1
      %and3A_60 = arith.andi %ne3A_59, %ne3A_54 : i1
      %add3A_61 = arith.addi %rem3A_52, %select_n3A_51 : i32
      %select_n3A_62 = arith.select %and3A_60, %add3A_61, %rem3A_52 : i32
      %eq3A_63 = vector.broadcast %select_n3A_62 : i32 to vector<64x128xi32>
      %eq3A_64 = arith.cmpi eq, %iota3A, %eq3A_63 : vector<64x128xi32>
      %get3A_65 = arith.constant 0 : index
      %get3A_66 = arith.constant 0 : index
      %get3A_67 = vector.load %arg3[%get3A_65, %get3A_66] : memref<64x128xf32, #tpu.memory_space<vmem>>, vector<64x128xf32>
      %jit3A_68 = arith.constant 0.000000e+00 : f32
      %broadcast_in_dim3A_69 = vector.broadcast %jit3A_68 : f32 to vector<64x128xf32>
      %select_n3A_70 = arith.select %eq3A_64, %get3A_67, %broadcast_in_dim3A_69 : vector<64x128xi1>, vector<64x128xf32>
      %reduce_sum3A_71 = arith.constant dense<0.000000e+00> : vector<64xf32>
      %reduce_sum3A_72 = vector.multi_reduction <add>, %select_n3A_70, %reduce_sum3A_71 [1] : vector<64x128xf32> to vector<64xf32>
      %broadcast_in_dim3A_73 = vector.shape_cast %reduce_sum3A_72 : vector<64xf32> to vector<64x1xf32>
      %add3A_74 = arith.addf %add3A_40, %broadcast_in_dim3A_73 : vector<64x1xf32>
      %mul3A_75 = arith.constant 20 : i32
      %mul3A_76 = arith.muli %arg0, %mul3A_75 : i32
      %add3A_77 = arith.constant 2 : i32
      %add3A_78 = arith.addi %mul3A_76, %add3A_77 : i32
      %get3A_79 = arith.index_cast %add3A_78 : i32 to index
      %get3A_80 = memref.load %arg1[%get3A_79] : memref<200xi32, #tpu.memory_space<smem>>
      %jit3A_81 = arith.constant 128 : i32
      %eq3A_82 = arith.constant 0 : i32
      %eq3A_83 = arith.cmpi eq, %jit3A_81, %eq3A_82 : i32
      %jit3A_84 = arith.constant 1 : i32
      %select_n3A_85 = arith.select %eq3A_83, %jit3A_84, %jit3A_81 : i32
      %rem3A_86 = arith.remsi %get3A_80, %select_n3A_85 : i32
      %ne3A_87 = arith.constant 0 : i32
      %ne3A_88 = arith.cmpi ne, %rem3A_86, %ne3A_87 : i32
      %lt3A_89 = arith.constant 0 : i32
      %lt3A_90 = arith.cmpi slt, %rem3A_86, %lt3A_89 : i32
      %lt3A_91 = arith.constant 0 : i32
      %lt3A_92 = arith.cmpi slt, %select_n3A_85, %lt3A_91 : i32
      %ne3A_93 = arith.xori %lt3A_90, %lt3A_92 : i1
      %and3A_94 = arith.andi %ne3A_93, %ne3A_88 : i1
      %add3A_95 = arith.addi %rem3A_86, %select_n3A_85 : i32
      %select_n3A_96 = arith.select %and3A_94, %add3A_95, %rem3A_86 : i32
      %eq3A_97 = vector.broadcast %select_n3A_96 : i32 to vector<64x128xi32>
      %eq3A_98 = arith.cmpi eq, %iota3A, %eq3A_97 : vector<64x128xi32>
      %get3A_99 = arith.constant 0 : index
      %get3A_100 = arith.constant 0 : index
      %get3A_101 = vector.load %arg4[%get3A_99, %get3A_100] : memref<64x128xf32, #tpu.memory_space<vmem>>, vector<64x128xf32>
      %jit3A_102 = arith.constant 0.000000e+00 : f32
      %broadcast_in_dim3A_103 = vector.broadcast %jit3A_102 : f32 to vector<64x128xf32>
      %select_n3A_104 = arith.select %eq3A_98, %get3A_101, %broadcast_in_dim3A_103 : vector<64x128xi1>, vector<64x128xf32>
      %reduce_sum3A_105 = arith.constant dense<0.000000e+00> : vector<64xf32>
      %reduce_sum3A_106 = vector.multi_reduction <add>, %select_n3A_104, %reduce_sum3A_105 [1] : vector<64x128xf32> to vector<64xf32>
      %broadcast_in_dim3A_107 = vector.shape_cast %reduce_sum3A_106 : vector<64xf32> to vector<64x1xf32>
      %add3A_108 = arith.addf %add3A_74, %broadcast_in_dim3A_107 : vector<64x1xf32>
      %mul3A_109 = arith.constant 20 : i32
      %mul3A_110 = arith.muli %arg0, %mul3A_109 : i32
      %add3A_111 = arith.constant 3 : i32
      %add3A_112 = arith.addi %mul3A_110, %add3A_111 : i32
      %get3A_113 = arith.index_cast %add3A_112 : i32 to index
      %get3A_114 = memref.load %arg1[%get3A_113] : memref<200xi32, #tpu.memory_space<smem>>
      %jit3A_115 = arith.constant 128 : i32
      %eq3A_116 = arith.constant 0 : i32
      %eq3A_117 = arith.cmpi eq, %jit3A_115, %eq3A_116 : i32
      %jit3A_118 = arith.constant 1 : i32
      %select_n3A_119 = arith.select %eq3A_117, %jit3A_118, %jit3A_115 : i32
      %rem3A_120 = arith.remsi %get3A_114, %select_n3A_119 : i32
      %ne3A_121 = arith.constant 0 : i32
      %ne3A_122 = arith.cmpi ne, %rem3A_120, %ne3A_121 : i32
      %lt3A_123 = arith.constant 0 : i32
      %lt3A_124 = arith.cmpi slt, %rem3A_120, %lt3A_123 : i32
      %lt3A_125 = arith.constant 0 : i32
      %lt3A_126 = arith.cmpi slt, %select_n3A_119, %lt3A_125 : i32
      %ne3A_127 = arith.xori %lt3A_124, %lt3A_126 : i1
      %and3A_128 = arith.andi %ne3A_127, %ne3A_122 : i1
      %add3A_129 = arith.addi %rem3A_120, %select_n3A_119 : i32
      %select_n3A_130 = arith.select %and3A_128, %add3A_129, %rem3A_120 : i32
      %eq3A_131 = vector.broadcast %select_n3A_130 : i32 to vector<64x128xi32>
      %eq3A_132 = arith.cmpi eq, %iota3A, %eq3A_131 : vector<64x128xi32>
      %get3A_133 = arith.constant 0 : index
      %get3A_134 = arith.constant 0 : index
      %get3A_135 = vector.load %arg5[%get3A_133, %get3A_134] : memref<64x128xf32, #tpu.memory_space<vmem>>, vector<64x128xf32>
      %jit3A_136 = arith.constant 0.000000e+00 : f32
      %broadcast_in_dim3A_137 = vector.broadcast %jit3A_136 : f32 to vector<64x128xf32>
      %select_n3A_138 = arith.select %eq3A_132, %get3A_135, %broadcast_in_dim3A_137 : vector<64x128xi1>, vector<64x128xf32>
      %reduce_sum3A_139 = arith.constant dense<0.000000e+00> : vector<64xf32>
      %reduce_sum3A_140 = vector.multi_reduction <add>, %select_n3A_138, %reduce_sum3A_139 [1] : vector<64x128xf32> to vector<64xf32>
      %broadcast_in_dim3A_141 = vector.shape_cast %reduce_sum3A_140 : vector<64xf32> to vector<64x1xf32>
      %add3A_142 = arith.addf %add3A_108, %broadcast_in_dim3A_141 : vector<64x1xf32>
      %mul3A_143 = arith.constant 20 : i32
      %mul3A_144 = arith.muli %arg0, %mul3A_143 : i32
      %add3A_145 = arith.constant 4 : i32
      %add3A_146 = arith.addi %mul3A_144, %add3A_145 : i32
      %get3A_147 = arith.index_cast %add3A_146 : i32 to index
      %get3A_148 = memref.load %arg1[%get3A_147] : memref<200xi32, #tpu.memory_space<smem>>
      %jit3A_149 = arith.constant 128 : i32
      %eq3A_150 = arith.constant 0 : i32
      %eq3A_151 = arith.cmpi eq, %jit3A_149, %eq3A_150 : i32
      %jit3A_152 = arith.constant 1 : i32
      %select_n3A_153 = arith.select %eq3A_151, %jit3A_152, %jit3A_149 : i32
      %rem3A_154 = arith.remsi %get3A_148, %select_n3A_153 : i32
      %ne3A_155 = arith.constant 0 : i32
      %ne3A_156 = arith.cmpi ne, %rem3A_154, %ne3A_155 : i32
      %lt3A_157 = arith.constant 0 : i32
      %lt3A_158 = arith.cmpi slt, %rem3A_154, %lt3A_157 : i32
      %lt3A_159 = arith.constant 0 : i32
      %lt3A_160 = arith.cmpi slt, %select_n3A_153, %lt3A_159 : i32
      %ne3A_161 = arith.xori %lt3A_158, %lt3A_160 : i1
      %and3A_162 = arith.andi %ne3A_161, %ne3A_156 : i1
      %add3A_163 = arith.addi %rem3A_154, %select_n3A_153 : i32
      %select_n3A_164 = arith.select %and3A_162, %add3A_163, %rem3A_154 : i32
      %eq3A_165 = vector.broadcast %select_n3A_164 : i32 to vector<64x128xi32>
      %eq3A_166 = arith.cmpi eq, %iota3A, %eq3A_165 : vector<64x128xi32>
      %get3A_167 = arith.constant 0 : index
      %get3A_168 = arith.constant 0 : index
      %get3A_169 = vector.load %arg6[%get3A_167, %get3A_168] : memref<64x128xf32, #tpu.memory_space<vmem>>, vector<64x128xf32>
      %jit3A_170 = arith.constant 0.000000e+00 : f32
      %broadcast_in_dim3A_171 = vector.broadcast %jit3A_170 : f32 to vector<64x128xf32>
      %select_n3A_172 = arith.select %eq3A_166, %get3A_169, %broadcast_in_dim3A_171 : vector<64x128xi1>, vector<64x128xf32>
      %reduce_sum3A_173 = arith.constant dense<0.000000e+00> : vector<64xf32>
      %reduce_sum3A_174 = vector.multi_reduction <add>, %select_n3A_172, %reduce_sum3A_173 [1] : vector<64x128xf32> to vector<64xf32>
      %broadcast_in_dim3A_175 = vector.shape_cast %reduce_sum3A_174 : vector<64xf32> to vector<64x1xf32>
      %add3A_176 = arith.addf %add3A_142, %broadcast_in_dim3A_175 : vector<64x1xf32>
      %mul3A_177 = arith.constant 20 : i32
      %mul3A_178 = arith.muli %arg0, %mul3A_177 : i32
      %add3A_179 = arith.constant 5 : i32
      %add3A_180 = arith.addi %mul3A_178, %add3A_179 : i32
      %get3A_181 = arith.index_cast %add3A_180 : i32 to index
      %get3A_182 = memref.load %arg1[%get3A_181] : memref<200xi32, #tpu.memory_space<smem>>
      %jit3A_183 = arith.constant 128 : i32
      %eq3A_184 = arith.constant 0 : i32
      %eq3A_185 = arith.cmpi eq, %jit3A_183, %eq3A_184 : i32
      %jit3A_186 = arith.constant 1 : i32
      %select_n3A_187 = arith.select %eq3A_185, %jit3A_186, %jit3A_183 : i32
      %rem3A_188 = arith.remsi %get3A_182, %select_n3A_187 : i32
      %ne3A_189 = arith.constant 0 : i32
      %ne3A_190 = arith.cmpi ne, %rem3A_188, %ne3A_189 : i32
      %lt3A_191 = arith.constant 0 : i32
      %lt3A_192 = arith.cmpi slt, %rem3A_188, %lt3A_191 : i32
      %lt3A_193 = arith.constant 0 : i32
      %lt3A_194 = arith.cmpi slt, %select_n3A_187, %lt3A_193 : i32
      %ne3A_195 = arith.xori %lt3A_192, %lt3A_194 : i1
      %and3A_196 = arith.andi %ne3A_195, %ne3A_190 : i1
      %add3A_197 = arith.addi %rem3A_188, %select_n3A_187 : i32
      %select_n3A_198 = arith.select %and3A_196, %add3A_197, %rem3A_188 : i32
      %eq3A_199 = vector.broadcast %select_n3A_198 : i32 to vector<64x128xi32>
      %eq3A_200 = arith.cmpi eq, %iota3A, %eq3A_199 : vector<64x128xi32>
      %get3A_201 = arith.constant 0 : index
      %get3A_202 = arith.constant 0 : index
      %get3A_203 = vector.load %arg7[%get3A_201, %get3A_202] : memref<64x128xf32, #tpu.memory_space<vmem>>, vector<64x128xf32>
      %jit3A_204 = arith.constant 0.000000e+00 : f32
      %broadcast_in_dim3A_205 = vector.broadcast %jit3A_204 : f32 to vector<64x128xf32>
      %select_n3A_206 = arith.select %eq3A_200, %get3A_203, %broadcast_in_dim3A_205 : vector<64x128xi1>, vector<64x128xf32>
      %reduce_sum3A_207 = arith.constant dense<0.000000e+00> : vector<64xf32>
      %reduce_sum3A_208 = vector.multi_reduction <add>, %select_n3A_206, %reduce_sum3A_207 [1] : vector<64x128xf32> to vector<64xf32>
      %broadcast_in_dim3A_209 = vector.shape_cast %reduce_sum3A_208 : vector<64xf32> to vector<64x1xf32>
      %add3A_210 = arith.addf %add3A_176, %broadcast_in_dim3A_209 : vector<64x1xf32>
      %mul3A_211 = arith.constant 20 : i32
      %mul3A_212 = arith.muli %arg0, %mul3A_211 : i32
      %add3A_213 = arith.constant 6 : i32
      %add3A_214 = arith.addi %mul3A_212, %add3A_213 : i32
      %get3A_215 = arith.index_cast %add3A_214 : i32 to index
      %get3A_216 = memref.load %arg1[%get3A_215] : memref<200xi32, #tpu.memory_space<smem>>
      %jit3A_217 = arith.constant 128 : i32
      %eq3A_218 = arith.constant 0 : i32
      %eq3A_219 = arith.cmpi eq, %jit3A_217, %eq3A_218 : i32
      %jit3A_220 = arith.constant 1 : i32
      %select_n3A_221 = arith.select %eq3A_219, %jit3A_220, %jit3A_217 : i32
      %rem3A_222 = arith.remsi %get3A_216, %select_n3A_221 : i32
      %ne3A_223 = arith.constant 0 : i32
      %ne3A_224 = arith.cmpi ne, %rem3A_222, %ne3A_223 : i32
      %lt3A_225 = arith.constant 0 : i32
      %lt3A_226 = arith.cmpi slt, %rem3A_222, %lt3A_225 : i32
      %lt3A_227 = arith.constant 0 : i32
      %lt3A_228 = arith.cmpi slt, %select_n3A_221, %lt3A_227 : i32
      %ne3A_229 = arith.xori %lt3A_226, %lt3A_228 : i1
      %and3A_230 = arith.andi %ne3A_229, %ne3A_224 : i1
      %add3A_231 = arith.addi %rem3A_222, %select_n3A_221 : i32
      %select_n3A_232 = arith.select %and3A_230, %add3A_231, %rem3A_222 : i32
      %eq3A_233 = vector.broadcast %select_n3A_232 : i32 to vector<64x128xi32>
      %eq3A_234 = arith.cmpi eq, %iota3A, %eq3A_233 : vector<64x128xi32>
      %get3A_235 = arith.constant 0 : index
      %get3A_236 = arith.constant 0 : index
      %get3A_237 = vector.load %arg8[%get3A_235, %get3A_236] : memref<64x128xf32, #tpu.memory_space<vmem>>, vector<64x128xf32>
      %jit3A_238 = arith.constant 0.000000e+00 : f32
      %broadcast_in_dim3A_239 = vector.broadcast %jit3A_238 : f32 to vector<64x128xf32>
      %select_n3A_240 = arith.select %eq3A_234, %get3A_237, %broadcast_in_dim3A_239 : vector<64x128xi1>, vector<64x128xf32>
      %reduce_sum3A_241 = arith.constant dense<0.000000e+00> : vector<64xf32>
      %reduce_sum3A_242 = vector.multi_reduction <add>, %select_n3A_240, %reduce_sum3A_241 [1] : vector<64x128xf32> to vector<64xf32>
      %broadcast_in_dim3A_243 = vector.shape_cast %reduce_sum3A_242 : vector<64xf32> to vector<64x1xf32>
      %add3A_244 = arith.addf %add3A_210, %broadcast_in_dim3A_243 : vector<64x1xf32>
      %mul3A_245 = arith.constant 20 : i32
      %mul3A_246 = arith.muli %arg0, %mul3A_245 : i32
      %add3A_247 = arith.constant 7 : i32
      %add3A_248 = arith.addi %mul3A_246, %add3A_247 : i32
      %get3A_249 = arith.index_cast %add3A_248 : i32 to index
      %get3A_250 = memref.load %arg1[%get3A_249] : memref<200xi32, #tpu.memory_space<smem>>
      %jit3A_251 = arith.constant 128 : i32
      %eq3A_252 = arith.constant 0 : i32
      %eq3A_253 = arith.cmpi eq, %jit3A_251, %eq3A_252 : i32
      %jit3A_254 = arith.constant 1 : i32
      %select_n3A_255 = arith.select %eq3A_253, %jit3A_254, %jit3A_251 : i32
      %rem3A_256 = arith.remsi %get3A_250, %select_n3A_255 : i32
      %ne3A_257 = arith.constant 0 : i32
      %ne3A_258 = arith.cmpi ne, %rem3A_256, %ne3A_257 : i32
      %lt3A_259 = arith.constant 0 : i32
      %lt3A_260 = arith.cmpi slt, %rem3A_256, %lt3A_259 : i32
      %lt3A_261 = arith.constant 0 : i32
      %lt3A_262 = arith.cmpi slt, %select_n3A_255, %lt3A_261 : i32
      %ne3A_263 = arith.xori %lt3A_260, %lt3A_262 : i1
      %and3A_264 = arith.andi %ne3A_263, %ne3A_258 : i1
      %add3A_265 = arith.addi %rem3A_256, %select_n3A_255 : i32
      %select_n3A_266 = arith.select %and3A_264, %add3A_265, %rem3A_256 : i32
      %eq3A_267 = vector.broadcast %select_n3A_266 : i32 to vector<64x128xi32>
      %eq3A_268 = arith.cmpi eq, %iota3A, %eq3A_267 : vector<64x128xi32>
      %get3A_269 = arith.constant 0 : index
      %get3A_270 = arith.constant 0 : index
      %get3A_271 = vector.load %arg9[%get3A_269, %get3A_270] : memref<64x128xf32, #tpu.memory_space<vmem>>, vector<64x128xf32>
      %jit3A_272 = arith.constant 0.000000e+00 : f32
      %broadcast_in_dim3A_273 = vector.broadcast %jit3A_272 : f32 to vector<64x128xf32>
      %select_n3A_274 = arith.select %eq3A_268, %get3A_271, %broadcast_in_dim3A_273 : vector<64x128xi1>, vector<64x128xf32>
      %reduce_sum3A_275 = arith.constant dense<0.000000e+00> : vector<64xf32>
      %reduce_sum3A_276 = vector.multi_reduction <add>, %select_n3A_274, %reduce_sum3A_275 [1] : vector<64x128xf32> to vector<64xf32>
      %broadcast_in_dim3A_277 = vector.shape_cast %reduce_sum3A_276 : vector<64xf32> to vector<64x1xf32>
      %add3A_278 = arith.addf %add3A_244, %broadcast_in_dim3A_277 : vector<64x1xf32>
      %mul3A_279 = arith.constant 20 : i32
      %mul3A_280 = arith.muli %arg0, %mul3A_279 : i32
      %add3A_281 = arith.constant 8 : i32
      %add3A_282 = arith.addi %mul3A_280, %add3A_281 : i32
      %get3A_283 = arith.index_cast %add3A_282 : i32 to index
      %get3A_284 = memref.load %arg1[%get3A_283] : memref<200xi32, #tpu.memory_space<smem>>
      %jit3A_285 = arith.constant 128 : i32
      %eq3A_286 = arith.constant 0 : i32
      %eq3A_287 = arith.cmpi eq, %jit3A_285, %eq3A_286 : i32
      %jit3A_288 = arith.constant 1 : i32
      %select_n3A_289 = arith.select %eq3A_287, %jit3A_288, %jit3A_285 : i32
      %rem3A_290 = arith.remsi %get3A_284, %select_n3A_289 : i32
      %ne3A_291 = arith.constant 0 : i32
      %ne3A_292 = arith.cmpi ne, %rem3A_290, %ne3A_291 : i32
      %lt3A_293 = arith.constant 0 : i32
      %lt3A_294 = arith.cmpi slt, %rem3A_290, %lt3A_293 : i32
      %lt3A_295 = arith.constant 0 : i32
      %lt3A_296 = arith.cmpi slt, %select_n3A_289, %lt3A_295 : i32
      %ne3A_297 = arith.xori %lt3A_294, %lt3A_296 : i1
      %and3A_298 = arith.andi %ne3A_297, %ne3A_292 : i1
      %add3A_299 = arith.addi %rem3A_290, %select_n3A_289 : i32
      %select_n3A_300 = arith.select %and3A_298, %add3A_299, %rem3A_290 : i32
      %eq3A_301 = vector.broadcast %select_n3A_300 : i32 to vector<64x128xi32>
      %eq3A_302 = arith.cmpi eq, %iota3A, %eq3A_301 : vector<64x128xi32>
      %get3A_303 = arith.constant 0 : index
      %get3A_304 = arith.constant 0 : index
      %get3A_305 = vector.load %arg10[%get3A_303, %get3A_304] : memref<64x128xf32, #tpu.memory_space<vmem>>, vector<64x128xf32>
      %jit3A_306 = arith.constant 0.000000e+00 : f32
      %broadcast_in_dim3A_307 = vector.broadcast %jit3A_306 : f32 to vector<64x128xf32>
      %select_n3A_308 = arith.select %eq3A_302, %get3A_305, %broadcast_in_dim3A_307 : vector<64x128xi1>, vector<64x128xf32>
      %reduce_sum3A_309 = arith.constant dense<0.000000e+00> : vector<64xf32>
      %reduce_sum3A_310 = vector.multi_reduction <add>, %select_n3A_308, %reduce_sum3A_309 [1] : vector<64x128xf32> to vector<64xf32>
      %broadcast_in_dim3A_311 = vector.shape_cast %reduce_sum3A_310 : vector<64xf32> to vector<64x1xf32>
      %add3A_312 = arith.addf %add3A_278, %broadcast_in_dim3A_311 : vector<64x1xf32>
      %mul3A_313 = arith.constant 20 : i32
      %mul3A_314 = arith.muli %arg0, %mul3A_313 : i32
      %add3A_315 = arith.constant 9 : i32
      %add3A_316 = arith.addi %mul3A_314, %add3A_315 : i32
      %get3A_317 = arith.index_cast %add3A_316 : i32 to index
      %get3A_318 = memref.load %arg1[%get3A_317] : memref<200xi32, #tpu.memory_space<smem>>
      %jit3A_319 = arith.constant 128 : i32
      %eq3A_320 = arith.constant 0 : i32
      %eq3A_321 = arith.cmpi eq, %jit3A_319, %eq3A_320 : i32
      %jit3A_322 = arith.constant 1 : i32
      %select_n3A_323 = arith.select %eq3A_321, %jit3A_322, %jit3A_319 : i32
      %rem3A_324 = arith.remsi %get3A_318, %select_n3A_323 : i32
      %ne3A_325 = arith.constant 0 : i32
      %ne3A_326 = arith.cmpi ne, %rem3A_324, %ne3A_325 : i32
      %lt3A_327 = arith.constant 0 : i32
      %lt3A_328 = arith.cmpi slt, %rem3A_324, %lt3A_327 : i32
      %lt3A_329 = arith.constant 0 : i32
      %lt3A_330 = arith.cmpi slt, %select_n3A_323, %lt3A_329 : i32
      %ne3A_331 = arith.xori %lt3A_328, %lt3A_330 : i1
      %and3A_332 = arith.andi %ne3A_331, %ne3A_326 : i1
      %add3A_333 = arith.addi %rem3A_324, %select_n3A_323 : i32
      %select_n3A_334 = arith.select %and3A_332, %add3A_333, %rem3A_324 : i32
      %eq3A_335 = vector.broadcast %select_n3A_334 : i32 to vector<64x128xi32>
      %eq3A_336 = arith.cmpi eq, %iota3A, %eq3A_335 : vector<64x128xi32>
      %get3A_337 = arith.constant 0 : index
      %get3A_338 = arith.constant 0 : index
      %get3A_339 = vector.load %arg11[%get3A_337, %get3A_338] : memref<64x128xf32, #tpu.memory_space<vmem>>, vector<64x128xf32>
      %jit3A_340 = arith.constant 0.000000e+00 : f32
      %broadcast_in_dim3A_341 = vector.broadcast %jit3A_340 : f32 to vector<64x128xf32>
      %select_n3A_342 = arith.select %eq3A_336, %get3A_339, %broadcast_in_dim3A_341 : vector<64x128xi1>, vector<64x128xf32>
      %reduce_sum3A_343 = arith.constant dense<0.000000e+00> : vector<64xf32>
      %reduce_sum3A_344 = vector.multi_reduction <add>, %select_n3A_342, %reduce_sum3A_343 [1] : vector<64x128xf32> to vector<64xf32>
      %broadcast_in_dim3A_345 = vector.shape_cast %reduce_sum3A_344 : vector<64xf32> to vector<64x1xf32>
      %add3A_346 = arith.addf %add3A_312, %broadcast_in_dim3A_345 : vector<64x1xf32>
      %mul3A_347 = arith.constant 20 : i32
      %mul3A_348 = arith.muli %arg0, %mul3A_347 : i32
      %add3A_349 = arith.constant 10 : i32
      %add3A_350 = arith.addi %mul3A_348, %add3A_349 : i32
      %get3A_351 = arith.index_cast %add3A_350 : i32 to index
      %get3A_352 = memref.load %arg1[%get3A_351] : memref<200xi32, #tpu.memory_space<smem>>
      %jit3A_353 = arith.constant 128 : i32
      %eq3A_354 = arith.constant 0 : i32
      %eq3A_355 = arith.cmpi eq, %jit3A_353, %eq3A_354 : i32
      %jit3A_356 = arith.constant 1 : i32
      %select_n3A_357 = arith.select %eq3A_355, %jit3A_356, %jit3A_353 : i32
      %rem3A_358 = arith.remsi %get3A_352, %select_n3A_357 : i32
      %ne3A_359 = arith.constant 0 : i32
      %ne3A_360 = arith.cmpi ne, %rem3A_358, %ne3A_359 : i32
      %lt3A_361 = arith.constant 0 : i32
      %lt3A_362 = arith.cmpi slt, %rem3A_358, %lt3A_361 : i32
      %lt3A_363 = arith.constant 0 : i32
      %lt3A_364 = arith.cmpi slt, %select_n3A_357, %lt3A_363 : i32
      %ne3A_365 = arith.xori %lt3A_362, %lt3A_364 : i1
      %and3A_366 = arith.andi %ne3A_365, %ne3A_360 : i1
      %add3A_367 = arith.addi %rem3A_358, %select_n3A_357 : i32
      %select_n3A_368 = arith.select %and3A_366, %add3A_367, %rem3A_358 : i32
      %eq3A_369 = vector.broadcast %select_n3A_368 : i32 to vector<64x128xi32>
      %eq3A_370 = arith.cmpi eq, %iota3A, %eq3A_369 : vector<64x128xi32>
      %get3A_371 = arith.constant 0 : index
      %get3A_372 = arith.constant 0 : index
      %get3A_373 = vector.load %arg12[%get3A_371, %get3A_372] : memref<64x128xf32, #tpu.memory_space<vmem>>, vector<64x128xf32>
      %jit3A_374 = arith.constant 0.000000e+00 : f32
      %broadcast_in_dim3A_375 = vector.broadcast %jit3A_374 : f32 to vector<64x128xf32>
      %select_n3A_376 = arith.select %eq3A_370, %get3A_373, %broadcast_in_dim3A_375 : vector<64x128xi1>, vector<64x128xf32>
      %reduce_sum3A_377 = arith.constant dense<0.000000e+00> : vector<64xf32>
      %reduce_sum3A_378 = vector.multi_reduction <add>, %select_n3A_376, %reduce_sum3A_377 [1] : vector<64x128xf32> to vector<64xf32>
      %broadcast_in_dim3A_379 = vector.shape_cast %reduce_sum3A_378 : vector<64xf32> to vector<64x1xf32>
      %add3A_380 = arith.addf %add3A_346, %broadcast_in_dim3A_379 : vector<64x1xf32>
      %mul3A_381 = arith.constant 20 : i32
      %mul3A_382 = arith.muli %arg0, %mul3A_381 : i32
      %add3A_383 = arith.constant 11 : i32
      %add3A_384 = arith.addi %mul3A_382, %add3A_383 : i32
      %get3A_385 = arith.index_cast %add3A_384 : i32 to index
      %get3A_386 = memref.load %arg1[%get3A_385] : memref<200xi32, #tpu.memory_space<smem>>
      %jit3A_387 = arith.constant 128 : i32
      %eq3A_388 = arith.constant 0 : i32
      %eq3A_389 = arith.cmpi eq, %jit3A_387, %eq3A_388 : i32
      %jit3A_390 = arith.constant 1 : i32
      %select_n3A_391 = arith.select %eq3A_389, %jit3A_390, %jit3A_387 : i32
      %rem3A_392 = arith.remsi %get3A_386, %select_n3A_391 : i32
      %ne3A_393 = arith.constant 0 : i32
      %ne3A_394 = arith.cmpi ne, %rem3A_392, %ne3A_393 : i32
      %lt3A_395 = arith.constant 0 : i32
      %lt3A_396 = arith.cmpi slt, %rem3A_392, %lt3A_395 : i32
      %lt3A_397 = arith.constant 0 : i32
      %lt3A_398 = arith.cmpi slt, %select_n3A_391, %lt3A_397 : i32
      %ne3A_399 = arith.xori %lt3A_396, %lt3A_398 : i1
      %and3A_400 = arith.andi %ne3A_399, %ne3A_394 : i1
      %add3A_401 = arith.addi %rem3A_392, %select_n3A_391 : i32
      %select_n3A_402 = arith.select %and3A_400, %add3A_401, %rem3A_392 : i32
      %eq3A_403 = vector.broadcast %select_n3A_402 : i32 to vector<64x128xi32>
      %eq3A_404 = arith.cmpi eq, %iota3A, %eq3A_403 : vector<64x128xi32>
      %get3A_405 = arith.constant 0 : index
      %get3A_406 = arith.constant 0 : index
      %get3A_407 = vector.load %arg13[%get3A_405, %get3A_406] : memref<64x128xf32, #tpu.memory_space<vmem>>, vector<64x128xf32>
      %jit3A_408 = arith.constant 0.000000e+00 : f32
      %broadcast_in_dim3A_409 = vector.broadcast %jit3A_408 : f32 to vector<64x128xf32>
      %select_n3A_410 = arith.select %eq3A_404, %get3A_407, %broadcast_in_dim3A_409 : vector<64x128xi1>, vector<64x128xf32>
      %reduce_sum3A_411 = arith.constant dense<0.000000e+00> : vector<64xf32>
      %reduce_sum3A_412 = vector.multi_reduction <add>, %select_n3A_410, %reduce_sum3A_411 [1] : vector<64x128xf32> to vector<64xf32>
      %broadcast_in_dim3A_413 = vector.shape_cast %reduce_sum3A_412 : vector<64xf32> to vector<64x1xf32>
      %add3A_414 = arith.addf %add3A_380, %broadcast_in_dim3A_413 : vector<64x1xf32>
      %mul3A_415 = arith.constant 20 : i32
      %mul3A_416 = arith.muli %arg0, %mul3A_415 : i32
      %add3A_417 = arith.constant 12 : i32
      %add3A_418 = arith.addi %mul3A_416, %add3A_417 : i32
      %get3A_419 = arith.index_cast %add3A_418 : i32 to index
      %get3A_420 = memref.load %arg1[%get3A_419] : memref<200xi32, #tpu.memory_space<smem>>
      %jit3A_421 = arith.constant 128 : i32
      %eq3A_422 = arith.constant 0 : i32
      %eq3A_423 = arith.cmpi eq, %jit3A_421, %eq3A_422 : i32
      %jit3A_424 = arith.constant 1 : i32
      %select_n3A_425 = arith.select %eq3A_423, %jit3A_424, %jit3A_421 : i32
      %rem3A_426 = arith.remsi %get3A_420, %select_n3A_425 : i32
      %ne3A_427 = arith.constant 0 : i32
      %ne3A_428 = arith.cmpi ne, %rem3A_426, %ne3A_427 : i32
      %lt3A_429 = arith.constant 0 : i32
      %lt3A_430 = arith.cmpi slt, %rem3A_426, %lt3A_429 : i32
      %lt3A_431 = arith.constant 0 : i32
      %lt3A_432 = arith.cmpi slt, %select_n3A_425, %lt3A_431 : i32
      %ne3A_433 = arith.xori %lt3A_430, %lt3A_432 : i1
      %and3A_434 = arith.andi %ne3A_433, %ne3A_428 : i1
      %add3A_435 = arith.addi %rem3A_426, %select_n3A_425 : i32
      %select_n3A_436 = arith.select %and3A_434, %add3A_435, %rem3A_426 : i32
      %eq3A_437 = vector.broadcast %select_n3A_436 : i32 to vector<64x128xi32>
      %eq3A_438 = arith.cmpi eq, %iota3A, %eq3A_437 : vector<64x128xi32>
      %get3A_439 = arith.constant 0 : index
      %get3A_440 = arith.constant 0 : index
      %get3A_441 = vector.load %arg14[%get3A_439, %get3A_440] : memref<64x128xf32, #tpu.memory_space<vmem>>, vector<64x128xf32>
      %jit3A_442 = arith.constant 0.000000e+00 : f32
      %broadcast_in_dim3A_443 = vector.broadcast %jit3A_442 : f32 to vector<64x128xf32>
      %select_n3A_444 = arith.select %eq3A_438, %get3A_441, %broadcast_in_dim3A_443 : vector<64x128xi1>, vector<64x128xf32>
      %reduce_sum3A_445 = arith.constant dense<0.000000e+00> : vector<64xf32>
      %reduce_sum3A_446 = vector.multi_reduction <add>, %select_n3A_444, %reduce_sum3A_445 [1] : vector<64x128xf32> to vector<64xf32>
      %broadcast_in_dim3A_447 = vector.shape_cast %reduce_sum3A_446 : vector<64xf32> to vector<64x1xf32>
      %add3A_448 = arith.addf %add3A_414, %broadcast_in_dim3A_447 : vector<64x1xf32>
      %mul3A_449 = arith.constant 20 : i32
      %mul3A_450 = arith.muli %arg0, %mul3A_449 : i32
      %add3A_451 = arith.constant 13 : i32
      %add3A_452 = arith.addi %mul3A_450, %add3A_451 : i32
      %get3A_453 = arith.index_cast %add3A_452 : i32 to index
      %get3A_454 = memref.load %arg1[%get3A_453] : memref<200xi32, #tpu.memory_space<smem>>
      %jit3A_455 = arith.constant 128 : i32
      %eq3A_456 = arith.constant 0 : i32
      %eq3A_457 = arith.cmpi eq, %jit3A_455, %eq3A_456 : i32
      %jit3A_458 = arith.constant 1 : i32
      %select_n3A_459 = arith.select %eq3A_457, %jit3A_458, %jit3A_455 : i32
      %rem3A_460 = arith.remsi %get3A_454, %select_n3A_459 : i32
      %ne3A_461 = arith.constant 0 : i32
      %ne3A_462 = arith.cmpi ne, %rem3A_460, %ne3A_461 : i32
      %lt3A_463 = arith.constant 0 : i32
      %lt3A_464 = arith.cmpi slt, %rem3A_460, %lt3A_463 : i32
      %lt3A_465 = arith.constant 0 : i32
      %lt3A_466 = arith.cmpi slt, %select_n3A_459, %lt3A_465 : i32
      %ne3A_467 = arith.xori %lt3A_464, %lt3A_466 : i1
      %and3A_468 = arith.andi %ne3A_467, %ne3A_462 : i1
      %add3A_469 = arith.addi %rem3A_460, %select_n3A_459 : i32
      %select_n3A_470 = arith.select %and3A_468, %add3A_469, %rem3A_460 : i32
      %eq3A_471 = vector.broadcast %select_n3A_470 : i32 to vector<64x128xi32>
      %eq3A_472 = arith.cmpi eq, %iota3A, %eq3A_471 : vector<64x128xi32>
      %get3A_473 = arith.constant 0 : index
      %get3A_474 = arith.constant 0 : index
      %get3A_475 = vector.load %arg15[%get3A_473, %get3A_474] : memref<64x128xf32, #tpu.memory_space<vmem>>, vector<64x128xf32>
      %jit3A_476 = arith.constant 0.000000e+00 : f32
      %broadcast_in_dim3A_477 = vector.broadcast %jit3A_476 : f32 to vector<64x128xf32>
      %select_n3A_478 = arith.select %eq3A_472, %get3A_475, %broadcast_in_dim3A_477 : vector<64x128xi1>, vector<64x128xf32>
      %reduce_sum3A_479 = arith.constant dense<0.000000e+00> : vector<64xf32>
      %reduce_sum3A_480 = vector.multi_reduction <add>, %select_n3A_478, %reduce_sum3A_479 [1] : vector<64x128xf32> to vector<64xf32>
      %broadcast_in_dim3A_481 = vector.shape_cast %reduce_sum3A_480 : vector<64xf32> to vector<64x1xf32>
      %add3A_482 = arith.addf %add3A_448, %broadcast_in_dim3A_481 : vector<64x1xf32>
      %mul3A_483 = arith.constant 20 : i32
      %mul3A_484 = arith.muli %arg0, %mul3A_483 : i32
      %add3A_485 = arith.constant 14 : i32
      %add3A_486 = arith.addi %mul3A_484, %add3A_485 : i32
      %get3A_487 = arith.index_cast %add3A_486 : i32 to index
      %get3A_488 = memref.load %arg1[%get3A_487] : memref<200xi32, #tpu.memory_space<smem>>
      %jit3A_489 = arith.constant 128 : i32
      %eq3A_490 = arith.constant 0 : i32
      %eq3A_491 = arith.cmpi eq, %jit3A_489, %eq3A_490 : i32
      %jit3A_492 = arith.constant 1 : i32
      %select_n3A_493 = arith.select %eq3A_491, %jit3A_492, %jit3A_489 : i32
      %rem3A_494 = arith.remsi %get3A_488, %select_n3A_493 : i32
      %ne3A_495 = arith.constant 0 : i32
      %ne3A_496 = arith.cmpi ne, %rem3A_494, %ne3A_495 : i32
      %lt3A_497 = arith.constant 0 : i32
      %lt3A_498 = arith.cmpi slt, %rem3A_494, %lt3A_497 : i32
      %lt3A_499 = arith.constant 0 : i32
      %lt3A_500 = arith.cmpi slt, %select_n3A_493, %lt3A_499 : i32
      %ne3A_501 = arith.xori %lt3A_498, %lt3A_500 : i1
      %and3A_502 = arith.andi %ne3A_501, %ne3A_496 : i1
      %add3A_503 = arith.addi %rem3A_494, %select_n3A_493 : i32
      %select_n3A_504 = arith.select %and3A_502, %add3A_503, %rem3A_494 : i32
      %eq3A_505 = vector.broadcast %select_n3A_504 : i32 to vector<64x128xi32>
      %eq3A_506 = arith.cmpi eq, %iota3A, %eq3A_505 : vector<64x128xi32>
      %get3A_507 = arith.constant 0 : index
      %get3A_508 = arith.constant 0 : index
      %get3A_509 = vector.load %arg16[%get3A_507, %get3A_508] : memref<64x128xf32, #tpu.memory_space<vmem>>, vector<64x128xf32>
      %jit3A_510 = arith.constant 0.000000e+00 : f32
      %broadcast_in_dim3A_511 = vector.broadcast %jit3A_510 : f32 to vector<64x128xf32>
      %select_n3A_512 = arith.select %eq3A_506, %get3A_509, %broadcast_in_dim3A_511 : vector<64x128xi1>, vector<64x128xf32>
      %reduce_sum3A_513 = arith.constant dense<0.000000e+00> : vector<64xf32>
      %reduce_sum3A_514 = vector.multi_reduction <add>, %select_n3A_512, %reduce_sum3A_513 [1] : vector<64x128xf32> to vector<64xf32>
      %broadcast_in_dim3A_515 = vector.shape_cast %reduce_sum3A_514 : vector<64xf32> to vector<64x1xf32>
      %add3A_516 = arith.addf %add3A_482, %broadcast_in_dim3A_515 : vector<64x1xf32>
      %mul3A_517 = arith.constant 20 : i32
      %mul3A_518 = arith.muli %arg0, %mul3A_517 : i32
      %add3A_519 = arith.constant 15 : i32
      %add3A_520 = arith.addi %mul3A_518, %add3A_519 : i32
      %get3A_521 = arith.index_cast %add3A_520 : i32 to index
      %get3A_522 = memref.load %arg1[%get3A_521] : memref<200xi32, #tpu.memory_space<smem>>
      %jit3A_523 = arith.constant 128 : i32
      %eq3A_524 = arith.constant 0 : i32
      %eq3A_525 = arith.cmpi eq, %jit3A_523, %eq3A_524 : i32
      %jit3A_526 = arith.constant 1 : i32
      %select_n3A_527 = arith.select %eq3A_525, %jit3A_526, %jit3A_523 : i32
      %rem3A_528 = arith.remsi %get3A_522, %select_n3A_527 : i32
      %ne3A_529 = arith.constant 0 : i32
      %ne3A_530 = arith.cmpi ne, %rem3A_528, %ne3A_529 : i32
      %lt3A_531 = arith.constant 0 : i32
      %lt3A_532 = arith.cmpi slt, %rem3A_528, %lt3A_531 : i32
      %lt3A_533 = arith.constant 0 : i32
      %lt3A_534 = arith.cmpi slt, %select_n3A_527, %lt3A_533 : i32
      %ne3A_535 = arith.xori %lt3A_532, %lt3A_534 : i1
      %and3A_536 = arith.andi %ne3A_535, %ne3A_530 : i1
      %add3A_537 = arith.addi %rem3A_528, %select_n3A_527 : i32
      %select_n3A_538 = arith.select %and3A_536, %add3A_537, %rem3A_528 : i32
      %eq3A_539 = vector.broadcast %select_n3A_538 : i32 to vector<64x128xi32>
      %eq3A_540 = arith.cmpi eq, %iota3A, %eq3A_539 : vector<64x128xi32>
      %get3A_541 = arith.constant 0 : index
      %get3A_542 = arith.constant 0 : index
      %get3A_543 = vector.load %arg17[%get3A_541, %get3A_542] : memref<64x128xf32, #tpu.memory_space<vmem>>, vector<64x128xf32>
      %jit3A_544 = arith.constant 0.000000e+00 : f32
      %broadcast_in_dim3A_545 = vector.broadcast %jit3A_544 : f32 to vector<64x128xf32>
      %select_n3A_546 = arith.select %eq3A_540, %get3A_543, %broadcast_in_dim3A_545 : vector<64x128xi1>, vector<64x128xf32>
      %reduce_sum3A_547 = arith.constant dense<0.000000e+00> : vector<64xf32>
      %reduce_sum3A_548 = vector.multi_reduction <add>, %select_n3A_546, %reduce_sum3A_547 [1] : vector<64x128xf32> to vector<64xf32>
      %broadcast_in_dim3A_549 = vector.shape_cast %reduce_sum3A_548 : vector<64xf32> to vector<64x1xf32>
      %add3A_550 = arith.addf %add3A_516, %broadcast_in_dim3A_549 : vector<64x1xf32>
      %mul3A_551 = arith.constant 20 : i32
      %mul3A_552 = arith.muli %arg0, %mul3A_551 : i32
      %add3A_553 = arith.constant 16 : i32
      %add3A_554 = arith.addi %mul3A_552, %add3A_553 : i32
      %get3A_555 = arith.index_cast %add3A_554 : i32 to index
      %get3A_556 = memref.load %arg1[%get3A_555] : memref<200xi32, #tpu.memory_space<smem>>
      %jit3A_557 = arith.constant 128 : i32
      %eq3A_558 = arith.constant 0 : i32
      %eq3A_559 = arith.cmpi eq, %jit3A_557, %eq3A_558 : i32
      %jit3A_560 = arith.constant 1 : i32
      %select_n3A_561 = arith.select %eq3A_559, %jit3A_560, %jit3A_557 : i32
      %rem3A_562 = arith.remsi %get3A_556, %select_n3A_561 : i32
      %ne3A_563 = arith.constant 0 : i32
      %ne3A_564 = arith.cmpi ne, %rem3A_562, %ne3A_563 : i32
      %lt3A_565 = arith.constant 0 : i32
      %lt3A_566 = arith.cmpi slt, %rem3A_562, %lt3A_565 : i32
      %lt3A_567 = arith.constant 0 : i32
      %lt3A_568 = arith.cmpi slt, %select_n3A_561, %lt3A_567 : i32
      %ne3A_569 = arith.xori %lt3A_566, %lt3A_568 : i1
      %and3A_570 = arith.andi %ne3A_569, %ne3A_564 : i1
      %add3A_571 = arith.addi %rem3A_562, %select_n3A_561 : i32
      %select_n3A_572 = arith.select %and3A_570, %add3A_571, %rem3A_562 : i32
      %eq3A_573 = vector.broadcast %select_n3A_572 : i32 to vector<64x128xi32>
      %eq3A_574 = arith.cmpi eq, %iota3A, %eq3A_573 : vector<64x128xi32>
      %get3A_575 = arith.constant 0 : index
      %get3A_576 = arith.constant 0 : index
      %get3A_577 = vector.load %arg18[%get3A_575, %get3A_576] : memref<64x128xf32, #tpu.memory_space<vmem>>, vector<64x128xf32>
      %jit3A_578 = arith.constant 0.000000e+00 : f32
      %broadcast_in_dim3A_579 = vector.broadcast %jit3A_578 : f32 to vector<64x128xf32>
      %select_n3A_580 = arith.select %eq3A_574, %get3A_577, %broadcast_in_dim3A_579 : vector<64x128xi1>, vector<64x128xf32>
      %reduce_sum3A_581 = arith.constant dense<0.000000e+00> : vector<64xf32>
      %reduce_sum3A_582 = vector.multi_reduction <add>, %select_n3A_580, %reduce_sum3A_581 [1] : vector<64x128xf32> to vector<64xf32>
      %broadcast_in_dim3A_583 = vector.shape_cast %reduce_sum3A_582 : vector<64xf32> to vector<64x1xf32>
      %add3A_584 = arith.addf %add3A_550, %broadcast_in_dim3A_583 : vector<64x1xf32>
      %mul3A_585 = arith.constant 20 : i32
      %mul3A_586 = arith.muli %arg0, %mul3A_585 : i32
      %add3A_587 = arith.constant 17 : i32
      %add3A_588 = arith.addi %mul3A_586, %add3A_587 : i32
      %get3A_589 = arith.index_cast %add3A_588 : i32 to index
      %get3A_590 = memref.load %arg1[%get3A_589] : memref<200xi32, #tpu.memory_space<smem>>
      %jit3A_591 = arith.constant 128 : i32
      %eq3A_592 = arith.constant 0 : i32
      %eq3A_593 = arith.cmpi eq, %jit3A_591, %eq3A_592 : i32
      %jit3A_594 = arith.constant 1 : i32
      %select_n3A_595 = arith.select %eq3A_593, %jit3A_594, %jit3A_591 : i32
      %rem3A_596 = arith.remsi %get3A_590, %select_n3A_595 : i32
      %ne3A_597 = arith.constant 0 : i32
      %ne3A_598 = arith.cmpi ne, %rem3A_596, %ne3A_597 : i32
      %lt3A_599 = arith.constant 0 : i32
      %lt3A_600 = arith.cmpi slt, %rem3A_596, %lt3A_599 : i32
      %lt3A_601 = arith.constant 0 : i32
      %lt3A_602 = arith.cmpi slt, %select_n3A_595, %lt3A_601 : i32
      %ne3A_603 = arith.xori %lt3A_600, %lt3A_602 : i1
      %and3A_604 = arith.andi %ne3A_603, %ne3A_598 : i1
      %add3A_605 = arith.addi %rem3A_596, %select_n3A_595 : i32
      %select_n3A_606 = arith.select %and3A_604, %add3A_605, %rem3A_596 : i32
      %eq3A_607 = vector.broadcast %select_n3A_606 : i32 to vector<64x128xi32>
      %eq3A_608 = arith.cmpi eq, %iota3A, %eq3A_607 : vector<64x128xi32>
      %get3A_609 = arith.constant 0 : index
      %get3A_610 = arith.constant 0 : index
      %get3A_611 = vector.load %arg19[%get3A_609, %get3A_610] : memref<64x128xf32, #tpu.memory_space<vmem>>, vector<64x128xf32>
      %jit3A_612 = arith.constant 0.000000e+00 : f32
      %broadcast_in_dim3A_613 = vector.broadcast %jit3A_612 : f32 to vector<64x128xf32>
      %select_n3A_614 = arith.select %eq3A_608, %get3A_611, %broadcast_in_dim3A_613 : vector<64x128xi1>, vector<64x128xf32>
      %reduce_sum3A_615 = arith.constant dense<0.000000e+00> : vector<64xf32>
      %reduce_sum3A_616 = vector.multi_reduction <add>, %select_n3A_614, %reduce_sum3A_615 [1] : vector<64x128xf32> to vector<64xf32>
      %broadcast_in_dim3A_617 = vector.shape_cast %reduce_sum3A_616 : vector<64xf32> to vector<64x1xf32>
      %add3A_618 = arith.addf %add3A_584, %broadcast_in_dim3A_617 : vector<64x1xf32>
      %mul3A_619 = arith.constant 20 : i32
      %mul3A_620 = arith.muli %arg0, %mul3A_619 : i32
      %add3A_621 = arith.constant 18 : i32
      %add3A_622 = arith.addi %mul3A_620, %add3A_621 : i32
      %get3A_623 = arith.index_cast %add3A_622 : i32 to index
      %get3A_624 = memref.load %arg1[%get3A_623] : memref<200xi32, #tpu.memory_space<smem>>
      %jit3A_625 = arith.constant 128 : i32
      %eq3A_626 = arith.constant 0 : i32
      %eq3A_627 = arith.cmpi eq, %jit3A_625, %eq3A_626 : i32
      %jit3A_628 = arith.constant 1 : i32
      %select_n3A_629 = arith.select %eq3A_627, %jit3A_628, %jit3A_625 : i32
      %rem3A_630 = arith.remsi %get3A_624, %select_n3A_629 : i32
      %ne3A_631 = arith.constant 0 : i32
      %ne3A_632 = arith.cmpi ne, %rem3A_630, %ne3A_631 : i32
      %lt3A_633 = arith.constant 0 : i32
      %lt3A_634 = arith.cmpi slt, %rem3A_630, %lt3A_633 : i32
      %lt3A_635 = arith.constant 0 : i32
      %lt3A_636 = arith.cmpi slt, %select_n3A_629, %lt3A_635 : i32
      %ne3A_637 = arith.xori %lt3A_634, %lt3A_636 : i1
      %and3A_638 = arith.andi %ne3A_637, %ne3A_632 : i1
      %add3A_639 = arith.addi %rem3A_630, %select_n3A_629 : i32
      %select_n3A_640 = arith.select %and3A_638, %add3A_639, %rem3A_630 : i32
      %eq3A_641 = vector.broadcast %select_n3A_640 : i32 to vector<64x128xi32>
      %eq3A_642 = arith.cmpi eq, %iota3A, %eq3A_641 : vector<64x128xi32>
      %get3A_643 = arith.constant 0 : index
      %get3A_644 = arith.constant 0 : index
      %get3A_645 = vector.load %arg20[%get3A_643, %get3A_644] : memref<64x128xf32, #tpu.memory_space<vmem>>, vector<64x128xf32>
      %jit3A_646 = arith.constant 0.000000e+00 : f32
      %broadcast_in_dim3A_647 = vector.broadcast %jit3A_646 : f32 to vector<64x128xf32>
      %select_n3A_648 = arith.select %eq3A_642, %get3A_645, %broadcast_in_dim3A_647 : vector<64x128xi1>, vector<64x128xf32>
      %reduce_sum3A_649 = arith.constant dense<0.000000e+00> : vector<64xf32>
      %reduce_sum3A_650 = vector.multi_reduction <add>, %select_n3A_648, %reduce_sum3A_649 [1] : vector<64x128xf32> to vector<64xf32>
      %broadcast_in_dim3A_651 = vector.shape_cast %reduce_sum3A_650 : vector<64xf32> to vector<64x1xf32>
      %add3A_652 = arith.addf %add3A_618, %broadcast_in_dim3A_651 : vector<64x1xf32>
      %mul3A_653 = arith.constant 20 : i32
      %mul3A_654 = arith.muli %arg0, %mul3A_653 : i32
      %add3A_655 = arith.constant 19 : i32
      %add3A_656 = arith.addi %mul3A_654, %add3A_655 : i32
      %get3A_657 = arith.index_cast %add3A_656 : i32 to index
      %get3A_658 = memref.load %arg1[%get3A_657] : memref<200xi32, #tpu.memory_space<smem>>
      %jit3A_659 = arith.constant 128 : i32
      %eq3A_660 = arith.constant 0 : i32
      %eq3A_661 = arith.cmpi eq, %jit3A_659, %eq3A_660 : i32
      %jit3A_662 = arith.constant 1 : i32
      %select_n3A_663 = arith.select %eq3A_661, %jit3A_662, %jit3A_659 : i32
      %rem3A_664 = arith.remsi %get3A_658, %select_n3A_663 : i32
      %ne3A_665 = arith.constant 0 : i32
      %ne3A_666 = arith.cmpi ne, %rem3A_664, %ne3A_665 : i32
      %lt3A_667 = arith.constant 0 : i32
      %lt3A_668 = arith.cmpi slt, %rem3A_664, %lt3A_667 : i32
      %lt3A_669 = arith.constant 0 : i32
      %lt3A_670 = arith.cmpi slt, %select_n3A_663, %lt3A_669 : i32
      %ne3A_671 = arith.xori %lt3A_668, %lt3A_670 : i1
      %and3A_672 = arith.andi %ne3A_671, %ne3A_666 : i1
      %add3A_673 = arith.addi %rem3A_664, %select_n3A_663 : i32
      %select_n3A_674 = arith.select %and3A_672, %add3A_673, %rem3A_664 : i32
      %eq3A_675 = vector.broadcast %select_n3A_674 : i32 to vector<64x128xi32>
      %eq3A_676 = arith.cmpi eq, %iota3A, %eq3A_675 : vector<64x128xi32>
      %get3A_677 = arith.constant 0 : index
      %get3A_678 = arith.constant 0 : index
      %get3A_679 = vector.load %arg21[%get3A_677, %get3A_678] : memref<64x128xf32, #tpu.memory_space<vmem>>, vector<64x128xf32>
      %jit3A_680 = arith.constant 0.000000e+00 : f32
      %broadcast_in_dim3A_681 = vector.broadcast %jit3A_680 : f32 to vector<64x128xf32>
      %select_n3A_682 = arith.select %eq3A_676, %get3A_679, %broadcast_in_dim3A_681 : vector<64x128xi1>, vector<64x128xf32>
      %reduce_sum3A_683 = arith.constant dense<0.000000e+00> : vector<64xf32>
      %reduce_sum3A_684 = vector.multi_reduction <add>, %select_n3A_682, %reduce_sum3A_683 [1] : vector<64x128xf32> to vector<64xf32>
      %broadcast_in_dim3A_685 = vector.shape_cast %reduce_sum3A_684 : vector<64xf32> to vector<64x1xf32>
      %add3A_686 = arith.addf %add3A_652, %broadcast_in_dim3A_685 : vector<64x1xf32>
      %get3A_687 = arith.constant 0 : index
      %get3A_688 = arith.constant 0 : index
      %get3A_689 = vector.load %arg24[%get3A_687, %get3A_688] : memref<64x1xf32, #tpu.memory_space<vmem>>, vector<64x1xf32>
      %add3A_690 = arith.addf %get3A_689, %add3A_686 : vector<64x1xf32>
      %swap3A = arith.constant 0 : index
      %swap3A_691 = arith.constant 0 : index
      %swap3A_692 = vector.load %arg24[%swap3A, %swap3A_691] : memref<64x1xf32, #tpu.memory_space<vmem>>, vector<64x1xf32>
      tpu.vector_store %arg24[%swap3A, %swap3A_691], %add3A_690 {strides = array<i32>} : memref<64x1xf32, #tpu.memory_space<vmem>>, vector<64x1xf32>,
    } else {
    }
    %eq3A_6 = arith.constant 9 : i32
    %eq3A_7 = arith.cmpi eq, %arg0, %eq3A_6 : i32
    %convert_element_type3A_8 = arith.extui %eq3A_7 : i1 to i32
    %cond3A_9 = arith.constant 0 : i32
    %cond3A_10 = arith.cmpi ne, %convert_element_type3A_8, %cond3A_9 : i32
    scf.if %cond3A_10 {
      %get3A = arith.constant 0 : index
      %get3A_15 = arith.constant 0 : index
      %get3A_16 = vector.load %arg24[%get3A, %get3A_15] : memref<64x1xf32, #tpu.memory_space<vmem>>, vector<64x1xf32>
      %div3A = arith.constant 2.000000e+02 : f32
      %div3A_17 = vector.broadcast %div3A : f32 to vector<64x1xf32>
      %div3A_18 = arith.divf %get3A_16, %div3A_17 : vector<64x1xf32>
      %swap3A = arith.constant 0 : index
      %swap3A_19 = arith.constant 0 : index
      %swap3A_20 = vector.load %arg24[%swap3A, %swap3A_19] : memref<64x1xf32, #tpu.memory_space<vmem>>, vector<64x1xf32>
      tpu.vector_store %arg24[%swap3A, %swap3A_19], %div3A_18 {strides = array<i32>} : memref<64x1xf32, #tpu.memory_space<vmem>>, vector<64x1xf32>,
    } else {
    }
    %ge3A = arith.constant 10 : i32
    %ge3A_11 = arith.cmpi sge, %arg0, %ge3A : i32
    %convert_element_type3A_12 = arith.extui %ge3A_11 : i1 to i32
    %cond3A_13 = arith.constant 0 : i32
    %cond3A_14 = arith.cmpi ne, %convert_element_type3A_12, %cond3A_13 : i32
    scf.if %cond3A_14 {
      %get3A = arith.constant 0 : index
      %get3A_15 = arith.constant 0 : index
      %get3A_16 = vector.load %arg22[%get3A, %get3A_15] : memref<64x65536xf32, #tpu.memory_space<vmem>>, vector<64x65536xf32>
      %get3A_17 = arith.constant 0 : index
      %get3A_18 = arith.constant 0 : index
      %get3A_19 = vector.load %arg24[%get3A_17, %get3A_18] : memref<64x1xf32, #tpu.memory_space<vmem>>, vector<64x1xf32>
      %mul3A = vector.broadcast %get3A_19 : vector<64x1xf32> to vector<64x65536xf32>
      %mul3A_20 = arith.mulf %get3A_16, %mul3A : vector<64x65536xf32>
      %reduce_sum3A = arith.constant dense<0.000000e+00> : vector<65536xf32>
      %reduce_sum3A_21 = vector.multi_reduction <add>, %mul3A_20, %reduce_sum3A [0] : vector<64x65536xf32> to vector<65536xf32>
      %swap3A = arith.constant 0 : index
      %swap3A_22 = vector.load %arg23[%swap3A] : memref<65536xf32, #tpu.memory_space<vmem>>, vector<65536xf32>
      tpu.vector_store %arg23[%swap3A], %reduce_sum3A_21 {strides = array<i32>} : memref<65536xf32, #tpu.memory_space<vmem>>, vector<65536xf32>,
    } else {
    }
    return
  }
  func.func @transform_0(%arg0: i32, %arg1: memref<200xi32, #tpu.memory_space<smem>>) -> (i32, i32) {
    %min3A = arith.constant 9 : i32
    %min3A_0 = arith.minsi %arg0, %min3A : i32
    %mul3A = arith.constant 20 : i32
    %mul3A_1 = arith.muli %min3A_0, %mul3A : i32
    %add3A = arith.constant 0 : i32
    %add3A_2 = arith.addi %mul3A_1, %add3A : i32
    %get3A = arith.index_cast %add3A_2 : i32 to index
    %get3A_3 = memref.load %arg1[%get3A] : memref<200xi32, #tpu.memory_space<smem>>
    %jit3A = arith.constant 128 : i32
    %div3A = arith.divsi %get3A_3, %jit3A : i32
    %sign3A = arith.constant 0 : i32
    %sign3A_4 = arith.cmpi sgt, %get3A_3, %sign3A : i32
    %sign3A_5 = arith.extui %sign3A_4 : i1 to i32
    %sign3A_6 = arith.constant 0 : i32
    %sign3A_7 = arith.cmpi slt, %get3A_3, %sign3A_6 : i32
    %sign3A_8 = arith.extui %sign3A_7 : i1 to i32
    %sign3A_9 = arith.subi %sign3A_5, %sign3A_8 : i32
    %sign3A_10 = arith.constant 0 : i32
    %sign3A_11 = arith.cmpi sgt, %jit3A, %sign3A_10 : i32
    %sign3A_12 = arith.extui %sign3A_11 : i1 to i32
    %sign3A_13 = arith.constant 0 : i32
    %sign3A_14 = arith.cmpi slt, %jit3A, %sign3A_13 : i32
    %sign3A_15 = arith.extui %sign3A_14 : i1 to i32
    %sign3A_16 = arith.subi %sign3A_12, %sign3A_15 : i32
    %ne3A = arith.cmpi ne, %sign3A_9, %sign3A_16 : i32
    %rem3A = arith.remsi %get3A_3, %jit3A : i32
    %ne3A_17 = arith.constant 0 : i32
    %ne3A_18 = arith.cmpi ne, %rem3A, %ne3A_17 : i32
    %and3A = arith.andi %ne3A, %ne3A_18 : i1
    %sub3A = arith.constant 1 : i32
    %sub3A_19 = arith.subi %div3A, %sub3A : i32
    %select_n3A = arith.select %and3A, %sub3A_19, %div3A : i32
    %c0_i32 = arith.constant 0 : i32
    %c0_i32_20 = arith.constant 0 : i32
    return %c0_i32, %select_n3A : i32, i32
  }
  func.func @transform_1(%arg0: i32, %arg1: memref<200xi32, #tpu.memory_space<smem>>) -> (i32, i32) {
    %min3A = arith.constant 9 : i32
    %min3A_0 = arith.minsi %arg0, %min3A : i32
    %mul3A = arith.constant 20 : i32
    %mul3A_1 = arith.muli %min3A_0, %mul3A : i32
    %add3A = arith.constant 1 : i32
    %add3A_2 = arith.addi %mul3A_1, %add3A : i32
    %get3A = arith.index_cast %add3A_2 : i32 to index
    %get3A_3 = memref.load %arg1[%get3A] : memref<200xi32, #tpu.memory_space<smem>>
    %jit3A = arith.constant 128 : i32
    %div3A = arith.divsi %get3A_3, %jit3A : i32
    %sign3A = arith.constant 0 : i32
    %sign3A_4 = arith.cmpi sgt, %get3A_3, %sign3A : i32
    %sign3A_5 = arith.extui %sign3A_4 : i1 to i32
    %sign3A_6 = arith.constant 0 : i32
    %sign3A_7 = arith.cmpi slt, %get3A_3, %sign3A_6 : i32
    %sign3A_8 = arith.extui %sign3A_7 : i1 to i32
    %sign3A_9 = arith.subi %sign3A_5, %sign3A_8 : i32
    %sign3A_10 = arith.constant 0 : i32
    %sign3A_11 = arith.cmpi sgt, %jit3A, %sign3A_10 : i32
    %sign3A_12 = arith.extui %sign3A_11 : i1 to i32
    %sign3A_13 = arith.constant 0 : i32
    %sign3A_14 = arith.cmpi slt, %jit3A, %sign3A_13 : i32
    %sign3A_15 = arith.extui %sign3A_14 : i1 to i32
    %sign3A_16 = arith.subi %sign3A_12, %sign3A_15 : i32
    %ne3A = arith.cmpi ne, %sign3A_9, %sign3A_16 : i32
    %rem3A = arith.remsi %get3A_3, %jit3A : i32
    %ne3A_17 = arith.constant 0 : i32
    %ne3A_18 = arith.cmpi ne, %rem3A, %ne3A_17 : i32
    %and3A = arith.andi %ne3A, %ne3A_18 : i1
    %sub3A = arith.constant 1 : i32
    %sub3A_19 = arith.subi %div3A, %sub3A : i32
    %select_n3A = arith.select %and3A, %sub3A_19, %div3A : i32
    %c0_i32 = arith.constant 0 : i32
    %c0_i32_20 = arith.constant 0 : i32
    return %c0_i32, %select_n3A : i32, i32
  }
  func.func @transform_2(%arg0: i32, %arg1: memref<200xi32, #tpu.memory_space<smem>>) -> (i32, i32) {
    %min3A = arith.constant 9 : i32
    %min3A_0 = arith.minsi %arg0, %min3A : i32
    %mul3A = arith.constant 20 : i32
    %mul3A_1 = arith.muli %min3A_0, %mul3A : i32
    %add3A = arith.constant 2 : i32
    %add3A_2 = arith.addi %mul3A_1, %add3A : i32
    %get3A = arith.index_cast %add3A_2 : i32 to index
    %get3A_3 = memref.load %arg1[%get3A] : memref<200xi32, #tpu.memory_space<smem>>
    %jit3A = arith.constant 128 : i32
    %div3A = arith.divsi %get3A_3, %jit3A : i32
    %sign3A = arith.constant 0 : i32
    %sign3A_4 = arith.cmpi sgt, %get3A_3, %sign3A : i32
    %sign3A_5 = arith.extui %sign3A_4 : i1 to i32
    %sign3A_6 = arith.constant 0 : i32
    %sign3A_7 = arith.cmpi slt, %get3A_3, %sign3A_6 : i32
    %sign3A_8 = arith.extui %sign3A_7 : i1 to i32
    %sign3A_9 = arith.subi %sign3A_5, %sign3A_8 : i32
    %sign3A_10 = arith.constant 0 : i32
    %sign3A_11 = arith.cmpi sgt, %jit3A, %sign3A_10 : i32
    %sign3A_12 = arith.extui %sign3A_11 : i1 to i32
    %sign3A_13 = arith.constant 0 : i32
    %sign3A_14 = arith.cmpi slt, %jit3A, %sign3A_13 : i32
    %sign3A_15 = arith.extui %sign3A_14 : i1 to i32
    %sign3A_16 = arith.subi %sign3A_12, %sign3A_15 : i32
    %ne3A = arith.cmpi ne, %sign3A_9, %sign3A_16 : i32
    %rem3A = arith.remsi %get3A_3, %jit3A : i32
    %ne3A_17 = arith.constant 0 : i32
    %ne3A_18 = arith.cmpi ne, %rem3A, %ne3A_17 : i32
    %and3A = arith.andi %ne3A, %ne3A_18 : i1
    %sub3A = arith.constant 1 : i32
    %sub3A_19 = arith.subi %div3A, %sub3A : i32
    %select_n3A = arith.select %and3A, %sub3A_19, %div3A : i32
    %c0_i32 = arith.constant 0 : i32
    %c0_i32_20 = arith.constant 0 : i32
    return %c0_i32, %select_n3A : i32, i32
  }
  func.func @transform_3(%arg0: i32, %arg1: memref<200xi32, #tpu.memory_space<smem>>) -> (i32, i32) {
    %min3A = arith.constant 9 : i32
    %min3A_0 = arith.minsi %arg0, %min3A : i32
    %mul3A = arith.constant 20 : i32
    %mul3A_1 = arith.muli %min3A_0, %mul3A : i32
    %add3A = arith.constant 3 : i32
    %add3A_2 = arith.addi %mul3A_1, %add3A : i32
    %get3A = arith.index_cast %add3A_2 : i32 to index
    %get3A_3 = memref.load %arg1[%get3A] : memref<200xi32, #tpu.memory_space<smem>>
    %jit3A = arith.constant 128 : i32
    %div3A = arith.divsi %get3A_3, %jit3A : i32
    %sign3A = arith.constant 0 : i32
    %sign3A_4 = arith.cmpi sgt, %get3A_3, %sign3A : i32
    %sign3A_5 = arith.extui %sign3A_4 : i1 to i32
    %sign3A_6 = arith.constant 0 : i32
    %sign3A_7 = arith.cmpi slt, %get3A_3, %sign3A_6 : i32
    %sign3A_8 = arith.extui %sign3A_7 : i1 to i32
    %sign3A_9 = arith.subi %sign3A_5, %sign3A_8 : i32
    %sign3A_10 = arith.constant 0 : i32
    %sign3A_11 = arith.cmpi sgt, %jit3A, %sign3A_10 : i32
    %sign3A_12 = arith.extui %sign3A_11 : i1 to i32
    %sign3A_13 = arith.constant 0 : i32
    %sign3A_14 = arith.cmpi slt, %jit3A, %sign3A_13 : i32
    %sign3A_15 = arith.extui %sign3A_14 : i1 to i32
    %sign3A_16 = arith.subi %sign3A_12, %sign3A_15 : i32
    %ne3A = arith.cmpi ne, %sign3A_9, %sign3A_16 : i32
    %rem3A = arith.remsi %get3A_3, %jit3A : i32
    %ne3A_17 = arith.constant 0 : i32
    %ne3A_18 = arith.cmpi ne, %rem3A, %ne3A_17 : i32
    %and3A = arith.andi %ne3A, %ne3A_18 : i1
    %sub3A = arith.constant 1 : i32
    %sub3A_19 = arith.subi %div3A, %sub3A : i32
    %select_n3A = arith.select %and3A, %sub3A_19, %div3A : i32
    %c0_i32 = arith.constant 0 : i32
    %c0_i32_20 = arith.constant 0 : i32
    return %c0_i32, %select_n3A : i32, i32
  }
  func.func @transform_4(%arg0: i32, %arg1: memref<200xi32, #tpu.memory_space<smem>>) -> (i32, i32) {
    %min3A = arith.constant 9 : i32
    %min3A_0 = arith.minsi %arg0, %min3A : i32
    %mul3A = arith.constant 20 : i32
    %mul3A_1 = arith.muli %min3A_0, %mul3A : i32
    %add3A = arith.constant 4 : i32
    %add3A_2 = arith.addi %mul3A_1, %add3A : i32
    %get3A = arith.index_cast %add3A_2 : i32 to index
    %get3A_3 = memref.load %arg1[%get3A] : memref<200xi32, #tpu.memory_space<smem>>
    %jit3A = arith.constant 128 : i32
    %div3A = arith.divsi %get3A_3, %jit3A : i32
    %sign3A = arith.constant 0 : i32
    %sign3A_4 = arith.cmpi sgt, %get3A_3, %sign3A : i32
    %sign3A_5 = arith.extui %sign3A_4 : i1 to i32
    %sign3A_6 = arith.constant 0 : i32
    %sign3A_7 = arith.cmpi slt, %get3A_3, %sign3A_6 : i32
    %sign3A_8 = arith.extui %sign3A_7 : i1 to i32
    %sign3A_9 = arith.subi %sign3A_5, %sign3A_8 : i32
    %sign3A_10 = arith.constant 0 : i32
    %sign3A_11 = arith.cmpi sgt, %jit3A, %sign3A_10 : i32
    %sign3A_12 = arith.extui %sign3A_11 : i1 to i32
    %sign3A_13 = arith.constant 0 : i32
    %sign3A_14 = arith.cmpi slt, %jit3A, %sign3A_13 : i32
    %sign3A_15 = arith.extui %sign3A_14 : i1 to i32
    %sign3A_16 = arith.subi %sign3A_12, %sign3A_15 : i32
    %ne3A = arith.cmpi ne, %sign3A_9, %sign3A_16 : i32
    %rem3A = arith.remsi %get3A_3, %jit3A : i32
    %ne3A_17 = arith.constant 0 : i32
    %ne3A_18 = arith.cmpi ne, %rem3A, %ne3A_17 : i32
    %and3A = arith.andi %ne3A, %ne3A_18 : i1
    %sub3A = arith.constant 1 : i32
    %sub3A_19 = arith.subi %div3A, %sub3A : i32
    %select_n3A = arith.select %and3A, %sub3A_19, %div3A : i32
    %c0_i32 = arith.constant 0 : i32
    %c0_i32_20 = arith.constant 0 : i32
    return %c0_i32, %select_n3A : i32, i32
  }
  func.func @transform_5(%arg0: i32, %arg1: memref<200xi32, #tpu.memory_space<smem>>) -> (i32, i32) {
    %min3A = arith.constant 9 : i32
    %min3A_0 = arith.minsi %arg0, %min3A : i32
    %mul3A = arith.constant 20 : i32
    %mul3A_1 = arith.muli %min3A_0, %mul3A : i32
    %add3A = arith.constant 5 : i32
    %add3A_2 = arith.addi %mul3A_1, %add3A : i32
    %get3A = arith.index_cast %add3A_2 : i32 to index
    %get3A_3 = memref.load %arg1[%get3A] : memref<200xi32, #tpu.memory_space<smem>>
    %jit3A = arith.constant 128 : i32
    %div3A = arith.divsi %get3A_3, %jit3A : i32
    %sign3A = arith.constant 0 : i32
    %sign3A_4 = arith.cmpi sgt, %get3A_3, %sign3A : i32
    %sign3A_5 = arith.extui %sign3A_4 : i1 to i32
    %sign3A_6 = arith.constant 0 : i32
    %sign3A_7 = arith.cmpi slt, %get3A_3, %sign3A_6 : i32
    %sign3A_8 = arith.extui %sign3A_7 : i1 to i32
    %sign3A_9 = arith.subi %sign3A_5, %sign3A_8 : i32
    %sign3A_10 = arith.constant 0 : i32
    %sign3A_11 = arith.cmpi sgt, %jit3A, %sign3A_10 : i32
    %sign3A_12 = arith.extui %sign3A_11 : i1 to i32
    %sign3A_13 = arith.constant 0 : i32
    %sign3A_14 = arith.cmpi slt, %jit3A, %sign3A_13 : i32
    %sign3A_15 = arith.extui %sign3A_14 : i1 to i32
    %sign3A_16 = arith.subi %sign3A_12, %sign3A_15 : i32
    %ne3A = arith.cmpi ne, %sign3A_9, %sign3A_16 : i32
    %rem3A = arith.remsi %get3A_3, %jit3A : i32
    %ne3A_17 = arith.constant 0 : i32
    %ne3A_18 = arith.cmpi ne, %rem3A, %ne3A_17 : i32
    %and3A = arith.andi %ne3A, %ne3A_18 : i1
    %sub3A = arith.constant 1 : i32
    %sub3A_19 = arith.subi %div3A, %sub3A : i32
    %select_n3A = arith.select %and3A, %sub3A_19, %div3A : i32
    %c0_i32 = arith.constant 0 : i32
    %c0_i32_20 = arith.constant 0 : i32
    return %c0_i32, %select_n3A : i32, i32
  }
  func.func @transform_6(%arg0: i32, %arg1: memref<200xi32, #tpu.memory_space<smem>>) -> (i32, i32) {
    %min3A = arith.constant 9 : i32
    %min3A_0 = arith.minsi %arg0, %min3A : i32
    %mul3A = arith.constant 20 : i32
    %mul3A_1 = arith.muli %min3A_0, %mul3A : i32
    %add3A = arith.constant 6 : i32
    %add3A_2 = arith.addi %mul3A_1, %add3A : i32
    %get3A = arith.index_cast %add3A_2 : i32 to index
    %get3A_3 = memref.load %arg1[%get3A] : memref<200xi32, #tpu.memory_space<smem>>
    %jit3A = arith.constant 128 : i32
    %div3A = arith.divsi %get3A_3, %jit3A : i32
    %sign3A = arith.constant 0 : i32
    %sign3A_4 = arith.cmpi sgt, %get3A_3, %sign3A : i32
    %sign3A_5 = arith.extui %sign3A_4 : i1 to i32
    %sign3A_6 = arith.constant 0 : i32
    %sign3A_7 = arith.cmpi slt, %get3A_3, %sign3A_6 : i32
    %sign3A_8 = arith.extui %sign3A_7 : i1 to i32
    %sign3A_9 = arith.subi %sign3A_5, %sign3A_8 : i32
    %sign3A_10 = arith.constant 0 : i32
    %sign3A_11 = arith.cmpi sgt, %jit3A, %sign3A_10 : i32
    %sign3A_12 = arith.extui %sign3A_11 : i1 to i32
    %sign3A_13 = arith.constant 0 : i32
    %sign3A_14 = arith.cmpi slt, %jit3A, %sign3A_13 : i32
    %sign3A_15 = arith.extui %sign3A_14 : i1 to i32
    %sign3A_16 = arith.subi %sign3A_12, %sign3A_15 : i32
    %ne3A = arith.cmpi ne, %sign3A_9, %sign3A_16 : i32
    %rem3A = arith.remsi %get3A_3, %jit3A : i32
    %ne3A_17 = arith.constant 0 : i32
    %ne3A_18 = arith.cmpi ne, %rem3A, %ne3A_17 : i32
    %and3A = arith.andi %ne3A, %ne3A_18 : i1
    %sub3A = arith.constant 1 : i32
    %sub3A_19 = arith.subi %div3A, %sub3A : i32
    %select_n3A = arith.select %and3A, %sub3A_19, %div3A : i32
    %c0_i32 = arith.constant 0 : i32
    %c0_i32_20 = arith.constant 0 : i32
    return %c0_i32, %select_n3A : i32, i32
  }
  func.func @transform_7(%arg0: i32, %arg1: memref<200xi32, #tpu.memory_space<smem>>) -> (i32, i32) {
    %min3A = arith.constant 9 : i32
    %min3A_0 = arith.minsi %arg0, %min3A : i32
    %mul3A = arith.constant 20 : i32
    %mul3A_1 = arith.muli %min3A_0, %mul3A : i32
    %add3A = arith.constant 7 : i32
    %add3A_2 = arith.addi %mul3A_1, %add3A : i32
    %get3A = arith.index_cast %add3A_2 : i32 to index
    %get3A_3 = memref.load %arg1[%get3A] : memref<200xi32, #tpu.memory_space<smem>>
    %jit3A = arith.constant 128 : i32
    %div3A = arith.divsi %get3A_3, %jit3A : i32
    %sign3A = arith.constant 0 : i32
    %sign3A_4 = arith.cmpi sgt, %get3A_3, %sign3A : i32
    %sign3A_5 = arith.extui %sign3A_4 : i1 to i32
    %sign3A_6 = arith.constant 0 : i32
    %sign3A_7 = arith.cmpi slt, %get3A_3, %sign3A_6 : i32
    %sign3A_8 = arith.extui %sign3A_7 : i1 to i32
    %sign3A_9 = arith.subi %sign3A_5, %sign3A_8 : i32
    %sign3A_10 = arith.constant 0 : i32
    %sign3A_11 = arith.cmpi sgt, %jit3A, %sign3A_10 : i32
    %sign3A_12 = arith.extui %sign3A_11 : i1 to i32
    %sign3A_13 = arith.constant 0 : i32
    %sign3A_14 = arith.cmpi slt, %jit3A, %sign3A_13 : i32
    %sign3A_15 = arith.extui %sign3A_14 : i1 to i32
    %sign3A_16 = arith.subi %sign3A_12, %sign3A_15 : i32
    %ne3A = arith.cmpi ne, %sign3A_9, %sign3A_16 : i32
    %rem3A = arith.remsi %get3A_3, %jit3A : i32
    %ne3A_17 = arith.constant 0 : i32
    %ne3A_18 = arith.cmpi ne, %rem3A, %ne3A_17 : i32
    %and3A = arith.andi %ne3A, %ne3A_18 : i1
    %sub3A = arith.constant 1 : i32
    %sub3A_19 = arith.subi %div3A, %sub3A : i32
    %select_n3A = arith.select %and3A, %sub3A_19, %div3A : i32
    %c0_i32 = arith.constant 0 : i32
    %c0_i32_20 = arith.constant 0 : i32
    return %c0_i32, %select_n3A : i32, i32
  }
  func.func @transform_8(%arg0: i32, %arg1: memref<200xi32, #tpu.memory_space<smem>>) -> (i32, i32) {
    %min3A = arith.constant 9 : i32
    %min3A_0 = arith.minsi %arg0, %min3A : i32
    %mul3A = arith.constant 20 : i32
    %mul3A_1 = arith.muli %min3A_0, %mul3A : i32
    %add3A = arith.constant 8 : i32
    %add3A_2 = arith.addi %mul3A_1, %add3A : i32
    %get3A = arith.index_cast %add3A_2 : i32 to index
    %get3A_3 = memref.load %arg1[%get3A] : memref<200xi32, #tpu.memory_space<smem>>
    %jit3A = arith.constant 128 : i32
    %div3A = arith.divsi %get3A_3, %jit3A : i32
    %sign3A = arith.constant 0 : i32
    %sign3A_4 = arith.cmpi sgt, %get3A_3, %sign3A : i32
    %sign3A_5 = arith.extui %sign3A_4 : i1 to i32
    %sign3A_6 = arith.constant 0 : i32
    %sign3A_7 = arith.cmpi slt, %get3A_3, %sign3A_6 : i32
    %sign3A_8 = arith.extui %sign3A_7 : i1 to i32
    %sign3A_9 = arith.subi %sign3A_5, %sign3A_8 : i32
    %sign3A_10 = arith.constant 0 : i32
    %sign3A_11 = arith.cmpi sgt, %jit3A, %sign3A_10 : i32
    %sign3A_12 = arith.extui %sign3A_11 : i1 to i32
    %sign3A_13 = arith.constant 0 : i32
    %sign3A_14 = arith.cmpi slt, %jit3A, %sign3A_13 : i32
    %sign3A_15 = arith.extui %sign3A_14 : i1 to i32
    %sign3A_16 = arith.subi %sign3A_12, %sign3A_15 : i32
    %ne3A = arith.cmpi ne, %sign3A_9, %sign3A_16 : i32
    %rem3A = arith.remsi %get3A_3, %jit3A : i32
    %ne3A_17 = arith.constant 0 : i32
    %ne3A_18 = arith.cmpi ne, %rem3A, %ne3A_17 : i32
    %and3A = arith.andi %ne3A, %ne3A_18 : i1
    %sub3A = arith.constant 1 : i32
    %sub3A_19 = arith.subi %div3A, %sub3A : i32
    %select_n3A = arith.select %and3A, %sub3A_19, %div3A : i32
    %c0_i32 = arith.constant 0 : i32
    %c0_i32_20 = arith.constant 0 : i32
    return %c0_i32, %select_n3A : i32, i32
  }
  func.func @transform_9(%arg0: i32, %arg1: memref<200xi32, #tpu.memory_space<smem>>) -> (i32, i32) {
    %min3A = arith.constant 9 : i32
    %min3A_0 = arith.minsi %arg0, %min3A : i32
    %mul3A = arith.constant 20 : i32
    %mul3A_1 = arith.muli %min3A_0, %mul3A : i32
    %add3A = arith.constant 9 : i32
    %add3A_2 = arith.addi %mul3A_1, %add3A : i32
    %get3A = arith.index_cast %add3A_2 : i32 to index
    %get3A_3 = memref.load %arg1[%get3A] : memref<200xi32, #tpu.memory_space<smem>>
    %jit3A = arith.constant 128 : i32
    %div3A = arith.divsi %get3A_3, %jit3A : i32
    %sign3A = arith.constant 0 : i32
    %sign3A_4 = arith.cmpi sgt, %get3A_3, %sign3A : i32
    %sign3A_5 = arith.extui %sign3A_4 : i1 to i32
    %sign3A_6 = arith.constant 0 : i32
    %sign3A_7 = arith.cmpi slt, %get3A_3, %sign3A_6 : i32
    %sign3A_8 = arith.extui %sign3A_7 : i1 to i32
    %sign3A_9 = arith.subi %sign3A_5, %sign3A_8 : i32
    %sign3A_10 = arith.constant 0 : i32
    %sign3A_11 = arith.cmpi sgt, %jit3A, %sign3A_10 : i32
    %sign3A_12 = arith.extui %sign3A_11 : i1 to i32
    %sign3A_13 = arith.constant 0 : i32
    %sign3A_14 = arith.cmpi slt, %jit3A, %sign3A_13 : i32
    %sign3A_15 = arith.extui %sign3A_14 : i1 to i32
    %sign3A_16 = arith.subi %sign3A_12, %sign3A_15 : i32
    %ne3A = arith.cmpi ne, %sign3A_9, %sign3A_16 : i32
    %rem3A = arith.remsi %get3A_3, %jit3A : i32
    %ne3A_17 = arith.constant 0 : i32
    %ne3A_18 = arith.cmpi ne, %rem3A, %ne3A_17 : i32
    %and3A = arith.andi %ne3A, %ne3A_18 : i1
    %sub3A = arith.constant 1 : i32
    %sub3A_19 = arith.subi %div3A, %sub3A : i32
    %select_n3A = arith.select %and3A, %sub3A_19, %div3A : i32
    %c0_i32 = arith.constant 0 : i32
    %c0_i32_20 = arith.constant 0 : i32
    return %c0_i32, %select_n3A : i32, i32
  }
  func.func @transform_10(%arg0: i32, %arg1: memref<200xi32, #tpu.memory_space<smem>>) -> (i32, i32) {
    %min3A = arith.constant 9 : i32
    %min3A_0 = arith.minsi %arg0, %min3A : i32
    %mul3A = arith.constant 20 : i32
    %mul3A_1 = arith.muli %min3A_0, %mul3A : i32
    %add3A = arith.constant 10 : i32
    %add3A_2 = arith.addi %mul3A_1, %add3A : i32
    %get3A = arith.index_cast %add3A_2 : i32 to index
    %get3A_3 = memref.load %arg1[%get3A] : memref<200xi32, #tpu.memory_space<smem>>
    %jit3A = arith.constant 128 : i32
    %div3A = arith.divsi %get3A_3, %jit3A : i32
    %sign3A = arith.constant 0 : i32
    %sign3A_4 = arith.cmpi sgt, %get3A_3, %sign3A : i32
    %sign3A_5 = arith.extui %sign3A_4 : i1 to i32
    %sign3A_6 = arith.constant 0 : i32
    %sign3A_7 = arith.cmpi slt, %get3A_3, %sign3A_6 : i32
    %sign3A_8 = arith.extui %sign3A_7 : i1 to i32
    %sign3A_9 = arith.subi %sign3A_5, %sign3A_8 : i32
    %sign3A_10 = arith.constant 0 : i32
    %sign3A_11 = arith.cmpi sgt, %jit3A, %sign3A_10 : i32
    %sign3A_12 = arith.extui %sign3A_11 : i1 to i32
    %sign3A_13 = arith.constant 0 : i32
    %sign3A_14 = arith.cmpi slt, %jit3A, %sign3A_13 : i32
    %sign3A_15 = arith.extui %sign3A_14 : i1 to i32
    %sign3A_16 = arith.subi %sign3A_12, %sign3A_15 : i32
    %ne3A = arith.cmpi ne, %sign3A_9, %sign3A_16 : i32
    %rem3A = arith.remsi %get3A_3, %jit3A : i32
    %ne3A_17 = arith.constant 0 : i32
    %ne3A_18 = arith.cmpi ne, %rem3A, %ne3A_17 : i32
    %and3A = arith.andi %ne3A, %ne3A_18 : i1
    %sub3A = arith.constant 1 : i32
    %sub3A_19 = arith.subi %div3A, %sub3A : i32
    %select_n3A = arith.select %and3A, %sub3A_19, %div3A : i32
    %c0_i32 = arith.constant 0 : i32
    %c0_i32_20 = arith.constant 0 : i32
    return %c0_i32, %select_n3A : i32, i32
  }
  func.func @transform_11(%arg0: i32, %arg1: memref<200xi32, #tpu.memory_space<smem>>) -> (i32, i32) {
    %min3A = arith.constant 9 : i32
    %min3A_0 = arith.minsi %arg0, %min3A : i32
    %mul3A = arith.constant 20 : i32
    %mul3A_1 = arith.muli %min3A_0, %mul3A : i32
    %add3A = arith.constant 11 : i32
    %add3A_2 = arith.addi %mul3A_1, %add3A : i32
    %get3A = arith.index_cast %add3A_2 : i32 to index
    %get3A_3 = memref.load %arg1[%get3A] : memref<200xi32, #tpu.memory_space<smem>>
    %jit3A = arith.constant 128 : i32
    %div3A = arith.divsi %get3A_3, %jit3A : i32
    %sign3A = arith.constant 0 : i32
    %sign3A_4 = arith.cmpi sgt, %get3A_3, %sign3A : i32
    %sign3A_5 = arith.extui %sign3A_4 : i1 to i32
    %sign3A_6 = arith.constant 0 : i32
    %sign3A_7 = arith.cmpi slt, %get3A_3, %sign3A_6 : i32
    %sign3A_8 = arith.extui %sign3A_7 : i1 to i32
    %sign3A_9 = arith.subi %sign3A_5, %sign3A_8 : i32
    %sign3A_10 = arith.constant 0 : i32
    %sign3A_11 = arith.cmpi sgt, %jit3A, %sign3A_10 : i32
    %sign3A_12 = arith.extui %sign3A_11 : i1 to i32
    %sign3A_13 = arith.constant 0 : i32
    %sign3A_14 = arith.cmpi slt, %jit3A, %sign3A_13 : i32
    %sign3A_15 = arith.extui %sign3A_14 : i1 to i32
    %sign3A_16 = arith.subi %sign3A_12, %sign3A_15 : i32
    %ne3A = arith.cmpi ne, %sign3A_9, %sign3A_16 : i32
    %rem3A = arith.remsi %get3A_3, %jit3A : i32
    %ne3A_17 = arith.constant 0 : i32
    %ne3A_18 = arith.cmpi ne, %rem3A, %ne3A_17 : i32
    %and3A = arith.andi %ne3A, %ne3A_18 : i1
    %sub3A = arith.constant 1 : i32
    %sub3A_19 = arith.subi %div3A, %sub3A : i32
    %select_n3A = arith.select %and3A, %sub3A_19, %div3A : i32
    %c0_i32 = arith.constant 0 : i32
    %c0_i32_20 = arith.constant 0 : i32
    return %c0_i32, %select_n3A : i32, i32
  }
  func.func @transform_12(%arg0: i32, %arg1: memref<200xi32, #tpu.memory_space<smem>>) -> (i32, i32) {
    %min3A = arith.constant 9 : i32
    %min3A_0 = arith.minsi %arg0, %min3A : i32
    %mul3A = arith.constant 20 : i32
    %mul3A_1 = arith.muli %min3A_0, %mul3A : i32
    %add3A = arith.constant 12 : i32
    %add3A_2 = arith.addi %mul3A_1, %add3A : i32
    %get3A = arith.index_cast %add3A_2 : i32 to index
    %get3A_3 = memref.load %arg1[%get3A] : memref<200xi32, #tpu.memory_space<smem>>
    %jit3A = arith.constant 128 : i32
    %div3A = arith.divsi %get3A_3, %jit3A : i32
    %sign3A = arith.constant 0 : i32
    %sign3A_4 = arith.cmpi sgt, %get3A_3, %sign3A : i32
    %sign3A_5 = arith.extui %sign3A_4 : i1 to i32
    %sign3A_6 = arith.constant 0 : i32
    %sign3A_7 = arith.cmpi slt, %get3A_3, %sign3A_6 : i32
    %sign3A_8 = arith.extui %sign3A_7 : i1 to i32
    %sign3A_9 = arith.subi %sign3A_5, %sign3A_8 : i32
    %sign3A_10 = arith.constant 0 : i32
    %sign3A_11 = arith.cmpi sgt, %jit3A, %sign3A_10 : i32
    %sign3A_12 = arith.extui %sign3A_11 : i1 to i32
    %sign3A_13 = arith.constant 0 : i32
    %sign3A_14 = arith.cmpi slt, %jit3A, %sign3A_13 : i32
    %sign3A_15 = arith.extui %sign3A_14 : i1 to i32
    %sign3A_16 = arith.subi %sign3A_12, %sign3A_15 : i32
    %ne3A = arith.cmpi ne, %sign3A_9, %sign3A_16 : i32
    %rem3A = arith.remsi %get3A_3, %jit3A : i32
    %ne3A_17 = arith.constant 0 : i32
    %ne3A_18 = arith.cmpi ne, %rem3A, %ne3A_17 : i32
    %and3A = arith.andi %ne3A, %ne3A_18 : i1
    %sub3A = arith.constant 1 : i32
    %sub3A_19 = arith.subi %div3A, %sub3A : i32
    %select_n3A = arith.select %and3A, %sub3A_19, %div3A : i32
    %c0_i32 = arith.constant 0 : i32
    %c0_i32_20 = arith.constant 0 : i32
    return %c0_i32, %select_n3A : i32, i32
  }
  func.func @transform_13(%arg0: i32, %arg1: memref<200xi32, #tpu.memory_space<smem>>) -> (i32, i32) {
    %min3A = arith.constant 9 : i32
    %min3A_0 = arith.minsi %arg0, %min3A : i32
    %mul3A = arith.constant 20 : i32
    %mul3A_1 = arith.muli %min3A_0, %mul3A : i32
    %add3A = arith.constant 13 : i32
    %add3A_2 = arith.addi %mul3A_1, %add3A : i32
    %get3A = arith.index_cast %add3A_2 : i32 to index
    %get3A_3 = memref.load %arg1[%get3A] : memref<200xi32, #tpu.memory_space<smem>>
    %jit3A = arith.constant 128 : i32
    %div3A = arith.divsi %get3A_3, %jit3A : i32
    %sign3A = arith.constant 0 : i32
    %sign3A_4 = arith.cmpi sgt, %get3A_3, %sign3A : i32
    %sign3A_5 = arith.extui %sign3A_4 : i1 to i32
    %sign3A_6 = arith.constant 0 : i32
    %sign3A_7 = arith.cmpi slt, %get3A_3, %sign3A_6 : i32
    %sign3A_8 = arith.extui %sign3A_7 : i1 to i32
    %sign3A_9 = arith.subi %sign3A_5, %sign3A_8 : i32
    %sign3A_10 = arith.constant 0 : i32
    %sign3A_11 = arith.cmpi sgt, %jit3A, %sign3A_10 : i32
    %sign3A_12 = arith.extui %sign3A_11 : i1 to i32
    %sign3A_13 = arith.constant 0 : i32
    %sign3A_14 = arith.cmpi slt, %jit3A, %sign3A_13 : i32
    %sign3A_15 = arith.extui %sign3A_14 : i1 to i32
    %sign3A_16 = arith.subi %sign3A_12, %sign3A_15 : i32
    %ne3A = arith.cmpi ne, %sign3A_9, %sign3A_16 : i32
    %rem3A = arith.remsi %get3A_3, %jit3A : i32
    %ne3A_17 = arith.constant 0 : i32
    %ne3A_18 = arith.cmpi ne, %rem3A, %ne3A_17 : i32
    %and3A = arith.andi %ne3A, %ne3A_18 : i1
    %sub3A = arith.constant 1 : i32
    %sub3A_19 = arith.subi %div3A, %sub3A : i32
    %select_n3A = arith.select %and3A, %sub3A_19, %div3A : i32
    %c0_i32 = arith.constant 0 : i32
    %c0_i32_20 = arith.constant 0 : i32
    return %c0_i32, %select_n3A : i32, i32
  }
  func.func @transform_14(%arg0: i32, %arg1: memref<200xi32, #tpu.memory_space<smem>>) -> (i32, i32) {
    %min3A = arith.constant 9 : i32
    %min3A_0 = arith.minsi %arg0, %min3A : i32
    %mul3A = arith.constant 20 : i32
    %mul3A_1 = arith.muli %min3A_0, %mul3A : i32
    %add3A = arith.constant 14 : i32
    %add3A_2 = arith.addi %mul3A_1, %add3A : i32
    %get3A = arith.index_cast %add3A_2 : i32 to index
    %get3A_3 = memref.load %arg1[%get3A] : memref<200xi32, #tpu.memory_space<smem>>
    %jit3A = arith.constant 128 : i32
    %div3A = arith.divsi %get3A_3, %jit3A : i32
    %sign3A = arith.constant 0 : i32
    %sign3A_4 = arith.cmpi sgt, %get3A_3, %sign3A : i32
    %sign3A_5 = arith.extui %sign3A_4 : i1 to i32
    %sign3A_6 = arith.constant 0 : i32
    %sign3A_7 = arith.cmpi slt, %get3A_3, %sign3A_6 : i32
    %sign3A_8 = arith.extui %sign3A_7 : i1 to i32
    %sign3A_9 = arith.subi %sign3A_5, %sign3A_8 : i32
    %sign3A_10 = arith.constant 0 : i32
    %sign3A_11 = arith.cmpi sgt, %jit3A, %sign3A_10 : i32
    %sign3A_12 = arith.extui %sign3A_11 : i1 to i32
    %sign3A_13 = arith.constant 0 : i32
    %sign3A_14 = arith.cmpi slt, %jit3A, %sign3A_13 : i32
    %sign3A_15 = arith.extui %sign3A_14 : i1 to i32
    %sign3A_16 = arith.subi %sign3A_12, %sign3A_15 : i32
    %ne3A = arith.cmpi ne, %sign3A_9, %sign3A_16 : i32
    %rem3A = arith.remsi %get3A_3, %jit3A : i32
    %ne3A_17 = arith.constant 0 : i32
    %ne3A_18 = arith.cmpi ne, %rem3A, %ne3A_17 : i32
    %and3A = arith.andi %ne3A, %ne3A_18 : i1
    %sub3A = arith.constant 1 : i32
    %sub3A_19 = arith.subi %div3A, %sub3A : i32
    %select_n3A = arith.select %and3A, %sub3A_19, %div3A : i32
    %c0_i32 = arith.constant 0 : i32
    %c0_i32_20 = arith.constant 0 : i32
    return %c0_i32, %select_n3A : i32, i32
  }
  func.func @transform_15(%arg0: i32, %arg1: memref<200xi32, #tpu.memory_space<smem>>) -> (i32, i32) {
    %min3A = arith.constant 9 : i32
    %min3A_0 = arith.minsi %arg0, %min3A : i32
    %mul3A = arith.constant 20 : i32
    %mul3A_1 = arith.muli %min3A_0, %mul3A : i32
    %add3A = arith.constant 15 : i32
    %add3A_2 = arith.addi %mul3A_1, %add3A : i32
    %get3A = arith.index_cast %add3A_2 : i32 to index
    %get3A_3 = memref.load %arg1[%get3A] : memref<200xi32, #tpu.memory_space<smem>>
    %jit3A = arith.constant 128 : i32
    %div3A = arith.divsi %get3A_3, %jit3A : i32
    %sign3A = arith.constant 0 : i32
    %sign3A_4 = arith.cmpi sgt, %get3A_3, %sign3A : i32
    %sign3A_5 = arith.extui %sign3A_4 : i1 to i32
    %sign3A_6 = arith.constant 0 : i32
    %sign3A_7 = arith.cmpi slt, %get3A_3, %sign3A_6 : i32
    %sign3A_8 = arith.extui %sign3A_7 : i1 to i32
    %sign3A_9 = arith.subi %sign3A_5, %sign3A_8 : i32
    %sign3A_10 = arith.constant 0 : i32
    %sign3A_11 = arith.cmpi sgt, %jit3A, %sign3A_10 : i32
    %sign3A_12 = arith.extui %sign3A_11 : i1 to i32
    %sign3A_13 = arith.constant 0 : i32
    %sign3A_14 = arith.cmpi slt, %jit3A, %sign3A_13 : i32
    %sign3A_15 = arith.extui %sign3A_14 : i1 to i32
    %sign3A_16 = arith.subi %sign3A_12, %sign3A_15 : i32
    %ne3A = arith.cmpi ne, %sign3A_9, %sign3A_16 : i32
    %rem3A = arith.remsi %get3A_3, %jit3A : i32
    %ne3A_17 = arith.constant 0 : i32
    %ne3A_18 = arith.cmpi ne, %rem3A, %ne3A_17 : i32
    %and3A = arith.andi %ne3A, %ne3A_18 : i1
    %sub3A = arith.constant 1 : i32
    %sub3A_19 = arith.subi %div3A, %sub3A : i32
    %select_n3A = arith.select %and3A, %sub3A_19, %div3A : i32
    %c0_i32 = arith.constant 0 : i32
    %c0_i32_20 = arith.constant 0 : i32
    return %c0_i32, %select_n3A : i32, i32
  }
  func.func @transform_16(%arg0: i32, %arg1: memref<200xi32, #tpu.memory_space<smem>>) -> (i32, i32) {
    %min3A = arith.constant 9 : i32
    %min3A_0 = arith.minsi %arg0, %min3A : i32
    %mul3A = arith.constant 20 : i32
    %mul3A_1 = arith.muli %min3A_0, %mul3A : i32
    %add3A = arith.constant 16 : i32
    %add3A_2 = arith.addi %mul3A_1, %add3A : i32
    %get3A = arith.index_cast %add3A_2 : i32 to index
    %get3A_3 = memref.load %arg1[%get3A] : memref<200xi32, #tpu.memory_space<smem>>
    %jit3A = arith.constant 128 : i32
    %div3A = arith.divsi %get3A_3, %jit3A : i32
    %sign3A = arith.constant 0 : i32
    %sign3A_4 = arith.cmpi sgt, %get3A_3, %sign3A : i32
    %sign3A_5 = arith.extui %sign3A_4 : i1 to i32
    %sign3A_6 = arith.constant 0 : i32
    %sign3A_7 = arith.cmpi slt, %get3A_3, %sign3A_6 : i32
    %sign3A_8 = arith.extui %sign3A_7 : i1 to i32
    %sign3A_9 = arith.subi %sign3A_5, %sign3A_8 : i32
    %sign3A_10 = arith.constant 0 : i32
    %sign3A_11 = arith.cmpi sgt, %jit3A, %sign3A_10 : i32
    %sign3A_12 = arith.extui %sign3A_11 : i1 to i32
    %sign3A_13 = arith.constant 0 : i32
    %sign3A_14 = arith.cmpi slt, %jit3A, %sign3A_13 : i32
    %sign3A_15 = arith.extui %sign3A_14 : i1 to i32
    %sign3A_16 = arith.subi %sign3A_12, %sign3A_15 : i32
    %ne3A = arith.cmpi ne, %sign3A_9, %sign3A_16 : i32
    %rem3A = arith.remsi %get3A_3, %jit3A : i32
    %ne3A_17 = arith.constant 0 : i32
    %ne3A_18 = arith.cmpi ne, %rem3A, %ne3A_17 : i32
    %and3A = arith.andi %ne3A, %ne3A_18 : i1
    %sub3A = arith.constant 1 : i32
    %sub3A_19 = arith.subi %div3A, %sub3A : i32
    %select_n3A = arith.select %and3A, %sub3A_19, %div3A : i32
    %c0_i32 = arith.constant 0 : i32
    %c0_i32_20 = arith.constant 0 : i32
    return %c0_i32, %select_n3A : i32, i32
  }
  func.func @transform_17(%arg0: i32, %arg1: memref<200xi32, #tpu.memory_space<smem>>) -> (i32, i32) {
    %min3A = arith.constant 9 : i32
    %min3A_0 = arith.minsi %arg0, %min3A : i32
    %mul3A = arith.constant 20 : i32
    %mul3A_1 = arith.muli %min3A_0, %mul3A : i32
    %add3A = arith.constant 17 : i32
    %add3A_2 = arith.addi %mul3A_1, %add3A : i32
    %get3A = arith.index_cast %add3A_2 : i32 to index
    %get3A_3 = memref.load %arg1[%get3A] : memref<200xi32, #tpu.memory_space<smem>>
    %jit3A = arith.constant 128 : i32
    %div3A = arith.divsi %get3A_3, %jit3A : i32
    %sign3A = arith.constant 0 : i32
    %sign3A_4 = arith.cmpi sgt, %get3A_3, %sign3A : i32
    %sign3A_5 = arith.extui %sign3A_4 : i1 to i32
    %sign3A_6 = arith.constant 0 : i32
    %sign3A_7 = arith.cmpi slt, %get3A_3, %sign3A_6 : i32
    %sign3A_8 = arith.extui %sign3A_7 : i1 to i32
    %sign3A_9 = arith.subi %sign3A_5, %sign3A_8 : i32
    %sign3A_10 = arith.constant 0 : i32
    %sign3A_11 = arith.cmpi sgt, %jit3A, %sign3A_10 : i32
    %sign3A_12 = arith.extui %sign3A_11 : i1 to i32
    %sign3A_13 = arith.constant 0 : i32
    %sign3A_14 = arith.cmpi slt, %jit3A, %sign3A_13 : i32
    %sign3A_15 = arith.extui %sign3A_14 : i1 to i32
    %sign3A_16 = arith.subi %sign3A_12, %sign3A_15 : i32
    %ne3A = arith.cmpi ne, %sign3A_9, %sign3A_16 : i32
    %rem3A = arith.remsi %get3A_3, %jit3A : i32
    %ne3A_17 = arith.constant 0 : i32
    %ne3A_18 = arith.cmpi ne, %rem3A, %ne3A_17 : i32
    %and3A = arith.andi %ne3A, %ne3A_18 : i1
    %sub3A = arith.constant 1 : i32
    %sub3A_19 = arith.subi %div3A, %sub3A : i32
    %select_n3A = arith.select %and3A, %sub3A_19, %div3A : i32
    %c0_i32 = arith.constant 0 : i32
    %c0_i32_20 = arith.constant 0 : i32
    return %c0_i32, %select_n3A : i32, i32
  }
  func.func @transform_18(%arg0: i32, %arg1: memref<200xi32, #tpu.memory_space<smem>>) -> (i32, i32) {
    %min3A = arith.constant 9 : i32
    %min3A_0 = arith.minsi %arg0, %min3A : i32
    %mul3A = arith.constant 20 : i32
    %mul3A_1 = arith.muli %min3A_0, %mul3A : i32
    %add3A = arith.constant 18 : i32
    %add3A_2 = arith.addi %mul3A_1, %add3A : i32
    %get3A = arith.index_cast %add3A_2 : i32 to index
    %get3A_3 = memref.load %arg1[%get3A] : memref<200xi32, #tpu.memory_space<smem>>
    %jit3A = arith.constant 128 : i32
    %div3A = arith.divsi %get3A_3, %jit3A : i32
    %sign3A = arith.constant 0 : i32
    %sign3A_4 = arith.cmpi sgt, %get3A_3, %sign3A : i32
    %sign3A_5 = arith.extui %sign3A_4 : i1 to i32
    %sign3A_6 = arith.constant 0 : i32
    %sign3A_7 = arith.cmpi slt, %get3A_3, %sign3A_6 : i32
    %sign3A_8 = arith.extui %sign3A_7 : i1 to i32
    %sign3A_9 = arith.subi %sign3A_5, %sign3A_8 : i32
    %sign3A_10 = arith.constant 0 : i32
    %sign3A_11 = arith.cmpi sgt, %jit3A, %sign3A_10 : i32
    %sign3A_12 = arith.extui %sign3A_11 : i1 to i32
    %sign3A_13 = arith.constant 0 : i32
    %sign3A_14 = arith.cmpi slt, %jit3A, %sign3A_13 : i32
    %sign3A_15 = arith.extui %sign3A_14 : i1 to i32
    %sign3A_16 = arith.subi %sign3A_12, %sign3A_15 : i32
    %ne3A = arith.cmpi ne, %sign3A_9, %sign3A_16 : i32
    %rem3A = arith.remsi %get3A_3, %jit3A : i32
    %ne3A_17 = arith.constant 0 : i32
    %ne3A_18 = arith.cmpi ne, %rem3A, %ne3A_17 : i32
    %and3A = arith.andi %ne3A, %ne3A_18 : i1
    %sub3A = arith.constant 1 : i32
    %sub3A_19 = arith.subi %div3A, %sub3A : i32
    %select_n3A = arith.select %and3A, %sub3A_19, %div3A : i32
    %c0_i32 = arith.constant 0 : i32
    %c0_i32_20 = arith.constant 0 : i32
    return %c0_i32, %select_n3A : i32, i32
  }
  func.func @transform_19(%arg0: i32, %arg1: memref<200xi32, #tpu.memory_space<smem>>) -> (i32, i32) {
    %min3A = arith.constant 9 : i32
    %min3A_0 = arith.minsi %arg0, %min3A : i32
    %mul3A = arith.constant 20 : i32
    %mul3A_1 = arith.muli %min3A_0, %mul3A : i32
    %add3A = arith.constant 19 : i32
    %add3A_2 = arith.addi %mul3A_1, %add3A : i32
    %get3A = arith.index_cast %add3A_2 : i32 to index
    %get3A_3 = memref.load %arg1[%get3A] : memref<200xi32, #tpu.memory_space<smem>>
    %jit3A = arith.constant 128 : i32
    %div3A = arith.divsi %get3A_3, %jit3A : i32
    %sign3A = arith.constant 0 : i32
    %sign3A_4 = arith.cmpi sgt, %get3A_3, %sign3A : i32
    %sign3A_5 = arith.extui %sign3A_4 : i1 to i32
    %sign3A_6 = arith.constant 0 : i32
    %sign3A_7 = arith.cmpi slt, %get3A_3, %sign3A_6 : i32
    %sign3A_8 = arith.extui %sign3A_7 : i1 to i32
    %sign3A_9 = arith.subi %sign3A_5, %sign3A_8 : i32
    %sign3A_10 = arith.constant 0 : i32
    %sign3A_11 = arith.cmpi sgt, %jit3A, %sign3A_10 : i32
    %sign3A_12 = arith.extui %sign3A_11 : i1 to i32
    %sign3A_13 = arith.constant 0 : i32
    %sign3A_14 = arith.cmpi slt, %jit3A, %sign3A_13 : i32
    %sign3A_15 = arith.extui %sign3A_14 : i1 to i32
    %sign3A_16 = arith.subi %sign3A_12, %sign3A_15 : i32
    %ne3A = arith.cmpi ne, %sign3A_9, %sign3A_16 : i32
    %rem3A = arith.remsi %get3A_3, %jit3A : i32
    %ne3A_17 = arith.constant 0 : i32
    %ne3A_18 = arith.cmpi ne, %rem3A, %ne3A_17 : i32
    %and3A = arith.andi %ne3A, %ne3A_18 : i1
    %sub3A = arith.constant 1 : i32
    %sub3A_19 = arith.subi %div3A, %sub3A : i32
    %select_n3A = arith.select %and3A, %sub3A_19, %div3A : i32
    %c0_i32 = arith.constant 0 : i32
    %c0_i32_20 = arith.constant 0 : i32
    return %c0_i32, %select_n3A : i32, i32
  }
  func.func @transform_20(%arg0: i32, %arg1: memref<200xi32, #tpu.memory_space<smem>>) -> (i32, i32) {
    %sub3A = arith.constant 10 : i32
    %sub3A_0 = arith.subi %arg0, %sub3A : i32
    %max3A = arith.constant 0 : i32
    %max3A_1 = arith.maxsi %sub3A_0, %max3A : i32
    %c0_i32 = arith.constant 0 : i32
    %c0_i32_2 = arith.constant 0 : i32
    return %c0_i32, %max3A_1 : i32, i32
  }
  func.func @transform_21(%arg0: i32, %arg1: memref<200xi32, #tpu.memory_space<smem>>) -> i32 {
    %sub3A = arith.constant 10 : i32
    %sub3A_0 = arith.subi %arg0, %sub3A : i32
    %max3A = arith.constant 0 : i32
    %max3A_1 = arith.maxsi %sub3A_0, %max3A : i32
    %c0_i32 = arith.constant 0 : i32
    return %max3A_1 : i32
  }
}

</mosaic_0001>

<sc_bundles>
// kernel: kernel.4.cloned.1.call-start
scs
__scs_entry_jumppad:
0x0: {  	(pc) =	sbr.rel $0x88, $3  }
0x1: {  	(tag) =	ssettag $0x0;
	lr =	simm.s32 $0x1  }
0x2: {  	[smem:$0x3F9D] =	sst lr;
	_ =	strace $0xD0000000  }
0x3: {  	_ = 	snop  }
0x4: {  	_ = 	snop  }
0x5: {  	_ = 	snop  }
0x6: {  	_ = 	snop  }
0x7: {  	_ = 	snop  }
__scs_overlays_trampoline_lowered:
0x8: {  	[smem:$0x3FAC] =	sst s0  }
0x9: {  	[smem:$0x3FAD] =	sst s1  }
0xa: {  	[smem:$0x3FAE] =	sst s2  }
0xb: {  	[smem:$0x3FAF] =	sst s3  }
0xc: {  	[smem:$0x3FB0] =	sst s4  }
0xd: {  	[smem:$0x3FB1] =	sst s5  }
0xe: {  	[smem:$0x3FB2] =	sst s6  }
0xf: {  	[smem:$0x3FB3] =	sst s7  }
0x10: {  	[smem:$0x3FB4] =	sst s8  }
0x11: {  	[smem:$0x3FB5] =	sst s9;
	s0 =	simm.s32 @!p0 $0x0  }
0x12: {  	s1 =	sld [smem:$0x3F9B];
	s0 =	simm.s32 @p0 $0x1  }
0x13: {  	[smem:$0x3FB6] =	sst s0;
	s0 =	simm.s32 @!p1 $0x0  }
0x14: {  	s2 =	sld [smem:$0x3F9A];
	s0 =	simm.s32 @p1 $0x1  }
0x15: {  	[smem:$0x3FB7] =	sst s0;
	s0 =	simm.s32 @!p2 $0x0  }
0x16: {  	s3 =	sld [smem:$0x3FDB];
	s0 =	simm.s32 @p2 $0x1  }
0x17: {  	s4 =	simm.s32 $0x1BF5;
	[smem:$0x3FB9] =	sst s0  }
0x18: {  	s0 =	sld [smem:$0x3F9C];
	_ =	swait.ge [sflag:s4], $0x0  }
0x19: {  	s7 =	sld [smem:$0x3F9D]  }
0x1a: {  	s8 =	sadd.s32 $0xFFFFE003, lr  }
0x1b: {  	s9 =	sadd.s32 $0xFFFFFEF7, lr;
	s5 =	simm.s32 $0xFFFFFFFF;
	p2 =	slt.u32 s8, $0xFFFFF086  }
0x1c: {  	p1 =	slt.u32 s9, $0xF7A;
	s5 =	simm.s32 @!p2 $0x0  }
0x1d: {  	s5 =	simm.s32 @p1 $0x1;
	p0 =	seq.s32 s7, s2  }
0x1e: {  	s7 =	smul.u32 @!p0 $0xF7A, s2;
	p2 =	seq.s32 @!p0 s5, $0x0  }
0x1f: {  	s9 =	smul.u32 $0xF7A, s1;
	s8 =	simm.s32 @!p0 $0x1BF5;
	p2 =	por !p2, p0  }
0x20: {  	[sflag:s8] =	ssyncset.s32 @!p0 $0xFFFFF086;
	s6 =	sadd.s32 @!p0 s3, s7;
	s7 =	simm.s32 @!p0 $0x108  }
0x21: {  	s3 =	sadd.s32 s3, s9;
	s6 =	sadd.s32 @!p0 $0x88, s6;
	s7 =	simm.s32 @p2 $0x1082  }
0x22: {  	[simem:s7], [sflag:s8] =	dma.local @!p0 [hbm:s6], $0xF7A  }
0x23: {  	s9 =	sor.u32 $0xD0000000, s2;
	s6 =	simm.s32 $0x108;
	_ =	swait.ge @!p0 [sflag:s8], $0x0  }
0x24: {  	s3 =	sadd.s32 $0x88, s3;
	s6 =	simm.s32 @!p1 $0x1082;
	[sflag:s4] =	ssyncset.s32 $0xFFFFF086  }
0x25: {  	[simem:s6], [sflag:s4] =	dma.local [hbm:s3], $0xF7A  }
0x26: {  	[smem:$0x3F9D] =	sst s1;
	(tag) =	ssettag s2;
	_ =	strace s9  }
0x27: {  	s1 =	sld [smem:$0x3FAD]  }
0x28: {  	s2 =	sld [smem:$0x3FAE]  }
0x29: {  	s4 =	sld [smem:$0x3FB0]  }
0x2a: {  	p0 =	seq.s32 s5, $0x0;
	s5 =	sld [smem:$0x3FB1]  }
0x2b: {  	s6 =	sld [smem:$0x3FB2]  }
0x2c: {  	s7 =	sld [smem:$0x3FB3]  }
0x2d: {  	s3 =	simm.s32 $0x108;
	s8 =	sld [smem:$0x3FB4]  }
0x2e: {  	s3 =	simm.s32 @!p0 $0x1082;
	s9 =	sld [smem:$0x3FB5]  }
0x2f: {  	lr =	sadd.s32 s0, s3;
	s0 =	sld [smem:$0x3FAC]  }
0x30: {  	s3 =	sld [smem:$0x3FAF]  }
0x31: {  	[smem:$0x3FB8] =	sst s10  }
0x32: {  	s10 =	sld [smem:$0x3FB6];
	_ =	sdelay $0x3  }
0x33: {  	p0 =	seq.s32 s10, $0x1;
	s10 =	sld [smem:$0x3FB8];
	_ =	sdelay $0x3  }
0x34: {  	[smem:$0x3FB8] =	sst s10  }
0x35: {  	s10 =	sld [smem:$0x3FB7];
	_ =	sdelay $0x3  }
0x36: {  	p1 =	seq.s32 s10, $0x1;
	s10 =	sld [smem:$0x3FB8];
	_ =	sdelay $0x3  }
0x37: {  	[smem:$0x3FB8] =	sst s10  }
0x38: {  	s10 =	sld [smem:$0x3FB9]  }
0x39: {  	_ = 	snop;
	(pc) =	sbr.ind lr, $3  }
0x3a: {  	_ = 	snop  }
0x3b: {  	_ = 	snop  }
0x3c: {  	p2 =	seq.s32 s10, $0x1;
	s10 =	sld [smem:$0x3FB8]  }
0x3d: {  	_ =	shalt  }
0x3e: {  	_ =	shalt  }
0x3f: {  	_ =	shalt  }
0x40: {  	_ =	shalt  }
0x41: {  	_ =	shalt  }
0x42: {  	_ =	shalt  }
0x43: {  	_ =	shalt  }
0x44: {  	_ =	shalt  }
0x45: {  	_ =	shalt  }
0x46: {  	_ =	shalt  }
0x47: {  	_ =	shalt  }
0x48: {  	_ =	shalt  }
0x49: {  	_ =	shalt  }
0x4a: {  	_ =	shalt  }
0x4b: {  	_ =	shalt  }
0x4c: {  	_ =	shalt  }
0x4d: {  	_ =	shalt  }
0x4e: {  	_ =	shalt  }
0x4f: {  	_ =	shalt  }
0x50: {  	_ =	shalt  }
0x51: {  	_ =	shalt  }
0x52: {  	_ =	shalt  }
0x53: {  	_ =	shalt  }
0x54: {  	_ =	shalt  }
0x55: {  	_ =	shalt  }
0x56: {  	_ =	shalt  }
0x57: {  	_ =	shalt  }
0x58: {  	_ =	shalt  }
0x59: {  	_ =	shalt  }
0x5a: {  	_ =	shalt  }
0x5b: {  	_ =	shalt  }
0x5c: {  	_ =	shalt  }
0x5d: {  	_ =	shalt  }
0x5e: {  	_ =	shalt  }
0x5f: {  	_ =	shalt  }
0x60: {  	_ =	shalt  }
0x61: {  	_ =	shalt  }
0x62: {  	_ =	shalt  }
0x63: {  	_ =	shalt  }
0x64: {  	_ =	shalt  }
0x65: {  	_ =	shalt  }
0x66: {  	_ =	shalt  }
0x67: {  	_ =	shalt  }
0x68: {  	_ =	shalt  }
0x69: {  	_ =	shalt  }
0x6a: {  	_ =	shalt  }
0x6b: {  	_ =	shalt  }
0x6c: {  	_ =	shalt  }
0x6d: {  	_ =	shalt  }
0x6e: {  	_ =	shalt  }
0x6f: {  	_ =	shalt  }
0x70: {  	_ =	shalt  }
0x71: {  	_ =	shalt  }
0x72: {  	_ =	shalt  }
0x73: {  	_ =	shalt  }
0x74: {  	_ =	shalt  }
0x75: {  	_ =	shalt  }
0x76: {  	_ =	shalt  }
0x77: {  	_ =	shalt  }
0x78: {  	_ =	shalt  }
0x79: {  	_ =	shalt  }
0x7a: {  	_ =	shalt  }
0x7b: {  	_ =	shalt  }
0x7c: {  	_ =	shalt  }
0x7d: {  	_ =	shalt  }
0x7e: {  	_ =	shalt  }
0x7f: {  	_ =	shalt  }
0x80: {  	_ =	shalt  }
0x81: {  	_ =	shalt  }
0x82: {  	_ =	shalt  }
0x83: {  	_ =	shalt  }
0x84: {  	_ =	shalt  }
0x85: {  	_ =	shalt  }
0x86: {  	_ =	shalt  }
0x87: {  	_ =	shalt  }
.Lfunc_end0:
.L_simem_size_0:
called_computation_lowered:
.L_overlay_start_0:
0x88: {  	s2 =	sld [smem:$0x3FD9]  }
0x89: {  	s3 =	sld [smem:$0x3FFE];
	_ =	sdelay $0x1  }
0x8a: {  	s1 =	srdreg.scid  }
0x8b: {  	s0 =	sand.u32 $0x1, s1  }
0x8c: {  	s17 =	sshll.u32 s0, $0xA;
	s2 =	sadd.s32 s3, s2  }
0x8d: {  	s2 =	sadd.s32 s2, s17  }
0x8e: {  	[smem:$0x3FC4] =	sst s2  }
0x8f: {  	_ = 	snop  }
0x90: {  	s2 =	sld [smem:$0x3FC8]  }
0x91: {  	s18 =	sld [smem:$0x3FC7];
	(tm) =	ssettm $0x1  }
0x92: {  	s4 =	sld [smem:$0x3FFB];
	_ =	sdelay $0x3  }
0x93: {  	_ =	strace s4  }
0x94: {  	s4 =	sld [smem:$0x3FFC];
	_ =	sdelay $0x3  }
0x95: {  	_ =	strace s4  }
0x96: {  	s4 =	sld [smem:$0x3FFD];
	_ =	sdelay $0x3  }
0x97: {  	_ =	strace s4  }
0x98: {  	_ =	strace $0x8FFFFFFF  }
0x99: {  	s19 =	sld [smem:$0x3FDB];
	_ =	sdelay $0x1  }
0x9a: {  	s5 =	simm.s32 $_scs_section_size  }
0x9b: {  	s6 =	simm.s32 $_size__tile_overlayer_lowered;
	s7 =	simm.s32 $_tile_overlayer_lowered  }
0x9c: {  	s22 =	simm.s32 $0x1BFF;
	s21 =	sshll.u32 s7, $0x1;
	s4 =	sadd.s32 s5, s19  }
0x9d: {  	s8 =	simm.s32 $0x0;
	s20 =	sshll.u32 s6, $0x1;
	s6 =	sadd.s32 s21, s4  }
0x9e: {  	[timem:s8], [sflag:s22] =	dma.local [hbm:s6], s20  }
0x9f: {  	_ =	swait.ge [sflag:s22], s20  }
0xa0: {  	s5 =	ssub.s32 $0x0, s20;
	[sflag:s22] =	ssyncset.done $0x0  }
0xa1: {  	[sflag:s22] =	ssyncadd.s32 s5;
	_ =	sdelay $0x1  }
0xa2: {  	s23 =	simm.s32 $0x1B8B  }
0xa3: {  	_ =	swait.ge [sflag:s23], $0x1  }
0xa4: {  	[sflag:s23] =	ssyncset.done $0x0  }
0xa5: {  	s25 =	simm.s32 $0x1B8E;
	s24 =	sld [smem:$0x3FFE];
	[sflag:s23] =	ssyncadd.s32 $0xFFFFFFFF  }
0xa6: {  	s26 =	simm.s32 $execute0_lowered;
	[smem:$0x3FD2] =	sst s25  }
0xa7: {  	s6 =	sshll.u32 s26, $0x1;
	_ =	strace $0x80000046;
	[dreg:$0x1] =	wrdreg $0xFFFFFFFF  }
0xa8: {  	s28 =	simm.s32 $_size_execute0_lowered;
	s4 =	sadd.s32 s4, s6;
	[dreg:$0x0] =	wrdreg $0x0  }
0xa9: {  	s6 =	sshll.u32 s28, $0x1;
	[dreg:$0x2] =	wrdreg s4  }
0xaa: {  	[dreg:$0x3] =	wrdreg s6  }
0xab: {  	[dreg:$0x4] =	wrdreg $0xC0  }
0xac: {  	_ =	task [dreg:s8], $0x5FFFF  }
0xad: {  	[dreg:$0x1] =	wrdreg $0xFFFFFFFF  }
0xae: {  	[dreg:$0x0] =	wrdreg $0x60  }
0xaf: {  	[dreg:$0x2] =	wrdreg s24  }
0xb0: {  	[dreg:$0x3] =	wrdreg s18  }
0xb1: {  	[dreg:$0x4] =	wrdreg s2  }
0xb2: {  	[dreg:$0x5] =	wrdreg $0x70800  }
0xb3: {  	[dreg:$0x6] =	wrdreg $0x9  }
0xb4: {  	_ =	task.clear_ibuf [dreg:s8], $0x7FFFF;
	_ =	strace $0x90000046  }
0xb5: {  	s29 =	simm.s32 $0x9;
	_ =	strace $0x80000048  }
0xb6: {  	_ =	swait.ge [sflag:s29], $0x1  }
0xb7: {  	[sflag:s29] =	ssyncadd.s32 $0xFFFFFFFF  }
0xb8: {  	_ =	strace $0x90000048  }
0xb9: {  	_ =	sfence  }
0xba: {  	s30 =	sld [smem:$0x0];
	_ =	sdelay $0x2  }
0xbb: {  	s31 =	sshll.u32 s1, $0xD;
	s1 =	sshrl.u32 s1, $0x2  }
0xbc: {  	s3 =	sand.u32 $0x4000, s31;
	s1 =	sadd.s32 s1, s30  }
0xbd: {  	s0 =	sor.u32 s3, s0;
	s1 =	sshll.u32 s1, $0x11  }
0xbe: {  	s0 =	sor.u32 s1, s0  }
0xbf: {  	s0 =	sadd.s32 $0x8F2B, s0  }
0xc0: {  	[sflag:s0] =	ssyncadd.remote.s32 $0x1  }
0xc1: {  	_ =	sfence.sel $0xFFFF  }
0xc2: {  	[dreg:$0x0] =	wrdreg $0xFFFFFFFF;
	(pc) =	sbr.abs _section_cstart, $3  }
0xc3: {  	[dreg:$0x1] =	wrdreg $0xFFFFFFFF  }
0xc4: {  	_ =	task.clear_ibuf [dreg:s8], $0x2FFFF;
	_ =	strace $0x9FFFFFFF  }
0xc5: {  	(tm) =	ssettm $0x7FFFFFFF  }
tec
execute0_lowered:
.L_overlay_start_1:
0x0: {  	(tag) =	ssettag $0x1  }
0x1: {  	s8 =	rddreg [dreg:$0x0]  }
0x2: {  	s4 =	rddreg [dreg:$0x1]  }
0x3: {  	s1 =	srdreg.scid;
	s5 =	rddreg [dreg:$0x2]  }
0x4: {  	s0 =	stileid.u32;
	s2 =	rddreg [dreg:$0x3]  }
0x5: {  	s3 =	simm.s32 $0x0;
	s13 =	simm.s32 $0x400;
	s14 =	simm.s32 $0x8000  }
0x6: {  	s15 =	simm.s32 $0x1800;
	s16 =	simm.s32 $0x1C00;
	s17 =	simm.s32 $0x3400  }
0x7: {  	s19 =	simm.s32 $0x4;
	s20 =	simm.s32 $0x3;
	s21 =	simm.s32 $0x80  }
0x8: {  	s22 =	simm.s32 $0x1;
	s23 =	simm.s32 $0x7000;
	s24 =	simm.s32 $0x2  }
0x9: {  	s25 =	simm.s32 $0x0;
	s6 =	sand.u32 $0x1, s1;
	s1 =	rddreg [dreg:$0x4]  }
0xa: {  	s7 =	sshll.u32 s0, $0x8;
	[smem:$0x7FF] =	sst s3;
	s30 =	sshll.u32 s0, $0x10  }
0xb: {  	s31 =	sshll.u32 s0, $0xD;
	s10 =	sshll.u32 s0, $0x6;
	s9 =	sshll.u32 s6, $0x7  }
0xc: {  	s6 =	ssub.s32 $0x2, s6;
	_ =	strace $0x80000047;
	s18 =	sadd.s32 s30, s2  }
0xd: {  	s7 =	sor.u32 s9, s7;
	s29 =	sshrl.u32 s6, $0x1;
	s18 =	sshrl.u32 s18, $0x3  }
0xe: {  	s9 =	sshrl.u32 s7, $0x3;
	s12 =	ssub.s32 s6, s29;
	s4 =	sadd.s32 s4, s7  }
0xf: {  	s5 =	sadd.s32 s5, s7;
	s11 =	sadd.s32 s9, s8;
	s6 =	sadd.s32 $0x6000, s4  }
0x10: {  	s7 =	sadd.s32 $0x6000, s5;
	s8 =	sadd.s32 s8, s31;
	s9 =	sor.u32 $0x1C04, s10  }
0x11: {  	s12 =	smax.u32 s12, $0x1;
	s10 =	sadd.s32 $0x20200, s11;
	s11 =	sadd.s32 $0x20000, s11  }
.LBB2_1:
0x12: {  	[tilespmem:s3], [sflag:$0x3] =	stream.strided.gather [hbm4b:s4+s13], $0x1800, s14, s13, $0x38;
	[tilespmem:$0x17080] =	vst v63  }
0x13: {  	_ = 	snop  }
0x14: {  	[tilespmem:s15], [sflag:$0x3] =	stream.linear.gather [hbm4b:s6+s3], $0x100, $0x38;
	[tilespmem:$0x17080] =	vst v63  }
0x15: {  	_ = 	snop  }
0x16: {  	[tilespmem:s16], [sflag:$0x3] =	stream.strided.gather [hbm4b:s5+s13], $0x1800, s14, s13, $0x38;
	[tilespmem:$0x17080] =	vst v63  }
0x17: {  	_ = 	snop  }
0x18: {  	[tilespmem:s17], [sflag:$0x3] =	stream.linear.gather [hbm4b:s7+s3], $0x100, $0x38;
	[tilespmem:$0x17080] =	vst v63  }
0x19: {  	[spmem:s18], [sflag:s9] =	dma.local [hbm:s8], $0x2000  }
0x1a: {  	_ =	swait.ge [sflag:s19], $0x2000  }
0x1b: {  	[sflag:s19] =	ssyncset.done $0x0  }
0x1c: {  	[sflag:s19] =	ssyncadd.s32 $0xFFFFE000  }
0x1d: {  	_ =	swait.ge [sflag:s20], $0x1900  }
0x1e: {  	[sflag:s20] =	ssyncset.done $0x0  }
0x1f: {  	[sflag:s20] =	ssyncadd.s32 $0xFFFFE700  }
0x20: {  	_ =	swait.ge [sflag:s20], $0x1900  }
0x21: {  	[sflag:s20] =	ssyncset.done $0x0  }
0x22: {  	[sflag:s20] =	ssyncadd.s32 $0xFFFFE700  }
0x23: {  	s26 =	simm.s32 $0x0;
	[bflag:$0x0] =	sbarrier.arrive $0xFFFF  }
.LBB2_2:
0x24: {  	p0 =	sne.s32 s26, $0x6200  }
.Ltmp0:
0x25: {  	_ = 	snop;
	(pc) =	sbr.rel @p0 .LBB2_2-.Ltmp0, $4  }
0x26: {  	_ = 	snop  }
0x27: {  	s28 =	sshra.s32 s26, $0x2  }
0x28: {  	s26 =	sadd.s32 $0x200, s26;
	s29 =	sadd.s32 $0x3800, s28  }
0x29: {  	[tilespmem:s29], [sflag:$0x1] =	stream.indirect.gather [spmem:s2], $0x1, s28, s21, $0xb8;
	[tilespmem:$0x17080] =	vst v63  }
0x2a: {  	s26 =	simm.s32 $0x0  }
.LBB2_4:
0x2b: {  	p0 =	sne.s32 s26, $0x6200  }
.Ltmp1:
0x2c: {  	_ = 	snop;
	(pc) =	sbr.rel @p0 .LBB2_4-.Ltmp1, $4  }
0x2d: {  	_ = 	snop  }
0x2e: {  	s28 =	sshra.s32 s26, $0x2  }
0x2f: {  	s26 =	sadd.s32 $0x200, s26;
	s29 =	sadd.s32 $0x5400, s28;
	s28 =	sadd.s32 $0x1C00, s28  }
0x30: {  	[tilespmem:s29], [sflag:$0x2] =	stream.indirect.gather [spmem:s2], $0x1, s28, s21, $0xb8;
	[tilespmem:$0x17080] =	vst v63  }
0x31: {  	s26 =	simm.s32 $0x32  }
.LBB2_6:
0x32: {  	p0 =	sne.s32 s26, $0x1  }
.Ltmp2:
0x33: {  	_ = 	snop;
	(pc) =	sbr.rel @p0 .LBB2_6-.Ltmp2, $4  }
0x34: {  	_ = 	snop  }
0x35: {  	_ =	swait.ge [sflag:s22], $0x80  }
0x36: {  	[sflag:s22] =	ssyncset.done $0x0  }
0x37: {  	s26 =	sadd.s32 $0xFFFFFFFF, s26;
	[sflag:s22] =	ssyncadd.s32 $0xFFFFFF80  }
0x38: {  	s28 =	simm.s32 $0x0  }
0x39: {  	v1 =	vimm.f32 $0.0e+00;
	s26 =	simm.s32 $0x200;
	v0 =	vimm.f32 $0.0e+00;
	v2 =	vld [tilespmem:s28+$0x3800]  }
.LBB2_8:
0x3a: {  	p0 =	sne.s32 s26, $0x6200  }
.Ltmp3:
0x3b: {  	_ = 	snop;
	(pc) =	sbr.rel @p0 .LBB2_8-.Ltmp3, $3  }
0x3c: {  	_ =	sdelay $0x1  }
0x3d: {  	s28 =	sshra.s32 s26, $0x2;
	s26 =	sadd.s32 $0x200, s26;
	v0 =	vadd.f32 v2, v0  }
0x3e: {  	v2 =	vld [tilespmem:s28+$0x3800]  }
0x3f: {  	_ =	sdelay $0x2  }
0x40: {  	s28 =	simm.s32 $0x10  }
0x41: {  	s26 =	simm.s32 $0x240;
	v0 =	vadd.f32 v2, v0;
	v2 =	vld [tilespmem:s28+$0x3800]  }
.LBB2_10:
0x42: {  	p0 =	sne.s32 s26, $0x6240  }
.Ltmp4:
0x43: {  	_ = 	snop;
	(pc) =	sbr.rel @p0 .LBB2_10-.Ltmp4, $3  }
0x44: {  	_ =	sdelay $0x1  }
0x45: {  	s28 =	sshra.s32 s26, $0x2;
	s26 =	sadd.s32 $0x200, s26;
	v1 =	vadd.f32 v2, v1  }
0x46: {  	v2 =	vld [tilespmem:s28+$0x3800]  }
0x47: {  	_ =	sdelay $0x2  }
0x48: {  	s28 =	simm.s32 $0x20  }
0x49: {  	v3 =	vimm.f32 $0.0e+00;
	s26 =	simm.s32 $0x280;
	v4 =	vld [tilespmem:s28+$0x3800];
	v1 =	vadd.f32 v2, v1;
	v2 =	vimm.f32 $0.0e+00  }
.LBB2_12:
0x4a: {  	p0 =	sne.s32 s26, $0x6280  }
.Ltmp5:
0x4b: {  	_ = 	snop;
	(pc) =	sbr.rel @p0 .LBB2_12-.Ltmp5, $3  }
0x4c: {  	_ =	sdelay $0x1  }
0x4d: {  	s28 =	sshra.s32 s26, $0x2;
	s26 =	sadd.s32 $0x200, s26;
	v2 =	vadd.f32 v4, v2  }
0x4e: {  	v4 =	vld [tilespmem:s28+$0x3800]  }
0x4f: {  	_ =	sdelay $0x2  }
0x50: {  	s28 =	simm.s32 $0x30  }
0x51: {  	s26 =	simm.s32 $0x2C0;
	v2 =	vadd.f32 v4, v2;
	v4 =	vld [tilespmem:s28+$0x3800]  }
.LBB2_14:
0x52: {  	p0 =	sne.s32 s26, $0x62C0  }
.Ltmp6:
0x53: {  	_ = 	snop;
	(pc) =	sbr.rel @p0 .LBB2_14-.Ltmp6, $3  }
0x54: {  	_ =	sdelay $0x1  }
0x55: {  	s28 =	sshra.s32 s26, $0x2;
	s26 =	sadd.s32 $0x200, s26;
	v3 =	vadd.f32 v4, v3  }
0x56: {  	v4 =	vld [tilespmem:s28+$0x3800]  }
0x57: {  	_ =	sdelay $0x2  }
0x58: {  	s28 =	simm.s32 $0x40  }
0x59: {  	v5 =	vimm.f32 $0.0e+00;
	s26 =	simm.s32 $0x300;
	v6 =	vld [tilespmem:s28+$0x3800];
	v3 =	vadd.f32 v4, v3;
	v4 =	vimm.f32 $0.0e+00  }
.LBB2_16:
0x5a: {  	p0 =	sne.s32 s26, $0x6300  }
.Ltmp7:
0x5b: {  	_ = 	snop;
	(pc) =	sbr.rel @p0 .LBB2_16-.Ltmp7, $3  }
0x5c: {  	_ =	sdelay $0x1  }
0x5d: {  	s28 =	sshra.s32 s26, $0x2;
	s26 =	sadd.s32 $0x200, s26;
	v4 =	vadd.f32 v6, v4  }
0x5e: {  	v6 =	vld [tilespmem:s28+$0x3800]  }
0x5f: {  	_ =	sdelay $0x2  }
0x60: {  	s28 =	simm.s32 $0x50  }
0x61: {  	s26 =	simm.s32 $0x340;
	v4 =	vadd.f32 v6, v4;
	v6 =	vld [tilespmem:s28+$0x3800]  }
.LBB2_18:
0x62: {  	p0 =	sne.s32 s26, $0x6340  }
.Ltmp8:
0x63: {  	_ = 	snop;
	(pc) =	sbr.rel @p0 .LBB2_18-.Ltmp8, $3  }
0x64: {  	_ =	sdelay $0x1  }
0x65: {  	s28 =	sshra.s32 s26, $0x2;
	s26 =	sadd.s32 $0x200, s26;
	v5 =	vadd.f32 v6, v5  }
0x66: {  	v6 =	vld [tilespmem:s28+$0x3800]  }
0x67: {  	_ =	sdelay $0x2  }
0x68: {  	s28 =	simm.s32 $0x60  }
0x69: {  	s26 =	simm.s32 $0x380;
	v7 =	vimm.f32 $0.0e+00;
	v8 =	vld [tilespmem:s28+$0x3800];
	v6 =	vadd.f32 v6, v5;
	v5 =	vimm.f32 $0.0e+00  }
.LBB2_20:
0x6a: {  	p0 =	sne.s32 s26, $0x6380  }
.Ltmp9:
0x6b: {  	_ = 	snop;
	(pc) =	sbr.rel @p0 .LBB2_20-.Ltmp9, $3  }
0x6c: {  	_ =	sdelay $0x1  }
0x6d: {  	s28 =	sshra.s32 s26, $0x2;
	s26 =	sadd.s32 $0x200, s26;
	v7 =	vadd.f32 v8, v7  }
0x6e: {  	v8 =	vld [tilespmem:s28+$0x3800]  }
0x6f: {  	_ =	sdelay $0x2  }
0x70: {  	s28 =	simm.s32 $0x70  }
0x71: {  	s26 =	simm.s32 $0x3C0;
	v7 =	vadd.f32 v8, v7;
	v8 =	vld [tilespmem:s28+$0x3800]  }
.LBB2_22:
0x72: {  	p0 =	sne.s32 s26, $0x63C0  }
.Ltmp10:
0x73: {  	_ = 	snop;
	(pc) =	sbr.rel @p0 .LBB2_22-.Ltmp10, $3  }
0x74: {  	_ =	sdelay $0x1  }
0x75: {  	s28 =	sshra.s32 s26, $0x2;
	s26 =	sadd.s32 $0x200, s26;
	v5 =	vadd.f32 v8, v5  }
0x76: {  	v8 =	vld [tilespmem:s28+$0x3800]  }
0x77: {  	v0 =	vmul.f32 $4.882812390e-06, v0;
	_ =	sdelay $0x1  }
0x78: {  	v1 =	vmul.f32 $4.882812390e-06, v1;
	v9 =	vmul.f32 $1.442695020e+00, v0  }
0x79: {  	v2 =	vmul.f32 $4.882812390e-06, v2  }
0x7a: {  	v47 =	vmul.f32 $1.442695020e+00, v1;
	(erf) = vpow2.f32 v9  }
0x7b: {  	v3 =	vmul.f32 $4.882812390e-06, v3  }
0x7c: {  	v10 =	vmul.f32 $1.442695020e+00, v2;
	(erf) = vpow2.f32 v47  }
0x7d: {  	v4 =	vmul.f32 $4.882812390e-06, v4  }
0x7e: {  	v48 =	vmul.f32 $1.442695020e+00, v3;
	(erf) = vpow2.f32 v10  }
0x7f: {  	v6 =	vmul.f32 $4.882812390e-06, v6  }
0x80: {  	v49 =	vmul.f32 $1.442695020e+00, v4;
	(erf) = vpow2.f32 v48  }
0x81: {  	v7 =	vmul.f32 $4.882812390e-06, v7;
	v5 =	vadd.f32 v8, v5  }
0x82: {  	v50 =	vmul.f32 $1.442695020e+00, v6;
	(erf) = vpow2.f32 v49  }
0x83: {  	v5 =	vmul.f32 $4.882812390e-06, v5;
	v51 =	vpop (erf)  }
0x84: {  	v52 =	vmul.f32 $1.442695020e+00, v7;
	(erf) = vpow2.f32 v50;
	v8 =	vadd.f32 $0.0e+00, v51  }
0x85: {  	vm0 =	vgt.f32 v0, $0.0e+00;
	vm9 =	vgt.f32 v1, $0.0e+00;
	v54 =	vmul.f32 $1.442695020e+00, v5;
	v53 =	vpop (erf)  }
0x86: {  	(erf) = vpow2.f32 v52;
	v1 =	vnsel vm9, $0x0, v53;
	v8 =	vnsel vm0, $0x0, v8  }
0x87: {  	vm10 =	vgt.f32 v2, $0.0e+00;
	v55 =	vpop (erf);
	v1 =	vadd.f32 v1, v8  }
0x88: {  	(erf) = vpow2.f32 v54;
	v2 =	vnsel vm10, $0x0, v55  }
0x89: {  	vm11 =	vgt.f32 v3, $0.0e+00;
	v56 =	vpop (erf);
	v1 =	vadd.f32 v2, v1  }
0x8a: {  	v0 =	vnsel vm11, $0x0, v56  }
0x8b: {  	vm12 =	vgt.f32 v4, $0.0e+00;
	v57 =	vpop (erf);
	v0 =	vadd.f32 v0, v1  }
0x8c: {  	v58 =	vnsel vm12, $0x0, v57  }
0x8d: {  	vm13 =	vgt.f32 v6, $0.0e+00;
	v59 =	vpop (erf);
	v0 =	vadd.f32 v58, v0  }
0x8e: {  	v60 =	vnsel vm13, $0x0, v59  }
0x8f: {  	vm14 =	vgt.f32 v7, $0.0e+00;
	v61 =	vpop (erf);
	v0 =	vadd.f32 v60, v0  }
0x90: {  	v62 =	vnsel vm14, $0x0, v61  }
0x91: {  	vm15 =	vgt.f32 v5, $0.0e+00;
	v63 =	vpop (erf);
	v0 =	vadd.f32 v62, v0  }
0x92: {  	v1 =	vnsel vm15, $0x0, v63  }
0x93: {  	v0 =	vadd.f32 v1, v0;
	_ =	sdelay $0x1  }
0x94: {  	[tilespmem:$0x7000] =	vst v0  }
0x95: {  	[hbm4b:s10+s3] =	stream.linear.scatter [tilespmem:s23], [sflag:$0x4], $0x80, $0x38;
	[tilespmem:$0x17080] =	vst v63  }
0x96: {  	_ =	swait.ge [sflag:s19], $0x80  }
0x97: {  	[sflag:s19] =	ssyncset.done $0x0  }
0x98: {  	s26 =	simm.s32 $0x32;
	[sflag:s19] =	ssyncadd.s32 $0xFFFFFF80  }
.LBB2_24:
0x99: {  	p0 =	sne.s32 s26, $0x1  }
.Ltmp11:
0x9a: {  	_ = 	snop;
	(pc) =	sbr.rel @p0 .LBB2_24-.Ltmp11, $4  }
0x9b: {  	_ = 	snop  }
0x9c: {  	_ =	swait.ge [sflag:s24], $0x80  }
0x9d: {  	[sflag:s24] =	ssyncset.done $0x0  }
0x9e: {  	s26 =	sadd.s32 $0xFFFFFFFF, s26;
	[sflag:s24] =	ssyncadd.s32 $0xFFFFFF80  }
0x9f: {  	s26 =	simm.s32 $0x0  }
0xa0: {  	v0 =	vld [tilespmem:s26+$0x5400];
	_ =	sdelay $0x1  }
0xa1: {  	v1 =	vld [tilespmem:s26+$0x5410];
	_ =	sdelay $0x1  }
0xa2: {  	v2 =	vimm.f32 $0.0e+00;
	v3 =	vld [tilespmem:s26+$0x5420]  }
0xa3: {  	v0 =	vadd.f32 v0, v2  }
0xa4: {  	v2 =	vld [tilespmem:s26+$0x5430]  }
0xa5: {  	v0 =	vadd.f32 v1, v0  }
0xa6: {  	v1 =	vld [tilespmem:s26+$0x5440]  }
0xa7: {  	v0 =	vadd.f32 v3, v0;
	_ =	sdelay $0x1  }
0xa8: {  	v3 =	vld [tilespmem:s26+$0x5450];
	v0 =	vadd.f32 v2, v0;
	_ =	sdelay $0x1  }
0xa9: {  	v2 =	vadd.f32 v1, v0;
	v1 =	vld [tilespmem:s26+$0x5460];
	_ =	sdelay $0x1  }
0xaa: {  	v0 =	vld [tilespmem:s26+$0x5470]  }
0xab: {  	s28 =	simm.s32 $0x400;
	s26 =	simm.s32 $0x80;
	v2 =	vadd.f32 v3, v2  }
.LBB2_26:
0xac: {  	p0 =	sne.s32 s28, $0x6200;
	v3 =	vld [tilespmem:s26+$0x5400]  }
0xad: {  	v1 =	vadd.f32 v1, v2  }
0xae: {  	v2 =	vld [tilespmem:s26+$0x5410]  }
0xaf: {  	v0 =	vadd.f32 v0, v1  }
0xb0: {  	v1 =	vld [tilespmem:s26+$0x5420]  }
0xb1: {  	v0 =	vadd.f32 v3, v0  }
0xb2: {  	v3 =	vld [tilespmem:s26+$0x5430]  }
0xb3: {  	v0 =	vadd.f32 v2, v0  }
0xb4: {  	v2 =	vld [tilespmem:s26+$0x5440]  }
0xb5: {  	v0 =	vadd.f32 v1, v0  }
0xb6: {  	v4 =	vld [tilespmem:s26+$0x5450]  }
.Ltmp12:
0xb7: {  	v0 =	vadd.f32 v3, v0;
	(pc) =	sbr.rel @p0 .LBB2_26-.Ltmp12, $4  }
0xb8: {  	v1 =	vld [tilespmem:s26+$0x5460]  }
0xb9: {  	v2 =	vadd.f32 v2, v0  }
0xba: {  	v0 =	vld [tilespmem:s26+$0x5470]  }
0xbb: {  	s26 =	sshra.s32 s28, $0x2;
	s28 =	sadd.s32 $0x200, s28;
	v2 =	vadd.f32 v4, v2  }
0xbc: {  	v3 =	vld [tilespmem:s26+$0x5400]  }
0xbd: {  	v1 =	vadd.f32 v1, v2  }
0xbe: {  	v57 =	vld [tilespmem:s26+$0x5410]  }
0xbf: {  	v0 =	vadd.f32 v0, v1  }
0xc0: {  	v58 =	vld [tilespmem:s26+$0x5420]  }
0xc1: {  	v0 =	vadd.f32 v3, v0  }
0xc2: {  	v59 =	vld [tilespmem:s26+$0x5430]  }
0xc3: {  	v0 =	vadd.f32 v57, v0  }
0xc4: {  	v60 =	vld [tilespmem:s26+$0x5440]  }
0xc5: {  	v0 =	vadd.f32 v58, v0  }
0xc6: {  	v61 =	vld [tilespmem:s26+$0x5450]  }
0xc7: {  	v0 =	vadd.f32 v59, v0  }
0xc8: {  	v62 =	vld [tilespmem:s26+$0x5460]  }
0xc9: {  	v0 =	vadd.f32 v60, v0  }
0xca: {  	v63 =	vld [tilespmem:s26+$0x5470]  }
0xcb: {  	v0 =	vadd.f32 v61, v0;
	_ =	sdelay $0x1  }
0xcc: {  	v0 =	vadd.f32 v62, v0;
	_ =	sdelay $0x1  }
0xcd: {  	s25 =	sadd.s32 $0x1, s25;
	v0 =	vadd.f32 v63, v0  }
0xce: {  	p0 =	sne.s32 s25, s12  }
.Ltmp13:
0xcf: {  	[tilespmem:$0x7000] =	vst v0;
	(pc) =	sbr.rel @p0 .LBB2_1-.Ltmp13, $4  }
0xd0: {  	[hbm4b:s11+s3] =	stream.linear.scatter [tilespmem:s23], [sflag:$0x4], $0x80, $0x38;
	[tilespmem:$0x17080] =	vst v63  }
0xd1: {  	_ =	swait.ge [sflag:s19], $0x80  }
0xd2: {  	[sflag:s19] =	ssyncset.done $0x0  }
0xd3: {  	[sflag:s19] =	ssyncadd.s32 $0xFFFFFF80  }
0xd4: {  	_ =	sfence.sel $0x180000  }
0xd5: {  	[bflag:$0x0] =	sbarrier.arrive $0xFFFF  }
0xd6: {  	p0 =	sne.s32 s0, $0x0;
	_ =	strace $0x90000047  }
0xd7: {  	s0 =	sadd.s32 @!p0 $0x100000, s1;
	[bflag:$0x2] =	sbarrier.arrive $0xFFFF  }
0xd8: {  	[sflag:s0] =	ssyncadd.tile.s32 @!p0 $0x1;
	_ =	shalt  }
.Lfunc_end2:
_tile_overlayer_lowered:
.L_overlay_start_2:
0xd9: {  	(tag) =	ssettag $0x2  }
0xda: {  	s0 =	rddreg [dreg:$0x0];
	s2 =	stileid.u32  }
0xdb: {  	s1 =	rddreg [dreg:$0x1];
	p0 =	sne.s32 s2, $0x0  }
0xdc: {  	s3 =	rddreg [dreg:$0x2];
	[bflag:$0x3] =	sbarrier.arrive $0xFFFF;
	s2 =	simm.s32 @!p0 $0x1C04  }
0xdd: {  	[timem:s3], [sflag:s2] =	dma.local @!p0 [hbm:s0], s1  }
0xde: {  	s0 =	simm.s32 @!p0 $0x4  }
0xdf: {  	_ =	swait.ge @!p0 [sflag:s0], s1  }
0xe0: {  	s1 =	ssub.s32 @!p0 $0x0, s1;
	[sflag:s0] =	ssyncset.done @!p0 $0x0  }
0xe1: {  	[sflag:s0] =	ssyncadd.s32 @!p0 s1  }
0xe2: {  	[bflag:$0x3] =	sbarrier.arrive $0xFFFF  }
0xe3: {  	_ =	shalt  }

</sc_bundles>
